<compile_context>
chip_gen: v7x
topology: tpu7x:2x2x1
jax: 0.10.2.dev20260603
libtpu: 0.0.44.dev20260713+nightly
codegen_flags: <defaults>
</compile_context>

<pallas_src>
import functools

import jax
import jax.numpy as jnp
from jax import lax
from jax.experimental import pallas as pl
from jax.experimental.pallas import tpu as pltpu
from jax.experimental.pallas import tpu_sc as plsc

VOCAB = 1000000
EMB = 64
MAXLEN = 200
BATCH = 4096

NUM_CORES = 2
NUM_SUBCORES = 16
NW = NUM_CORES * NUM_SUBCORES
BTILE = BATCH // NW
LTILES = MAXLEN // 8
DTILES = EMB // 8
NGRP = EMB // 16
PITCH = BTILE + 1
NB = 6
LA = 5


def _make_kernel():
    mesh = plsc.VectorSubcoreMesh(core_axis_name="c", subcore_axis_name="s")

    @functools.partial(
        pl.kernel,
        mesh=mesh,
        out_type=jax.ShapeDtypeStruct((MAXLEN, DTILES, NW, 8, BTILE),
                                      jnp.float32),
        scratch_types=[
            pltpu.VMEM((LTILES, 8 * BTILE), jnp.int32),
            pltpu.VMEM((NB, BTILE, EMB), jnp.float32),
            pltpu.VMEM((2 * 2 * 8, PITCH), jnp.float32),
            pltpu.VMEM((2 * 2 * 8, PITCH), jnp.float32),
            pltpu.VMEM((2 * 2 * 8, PITCH), jnp.float32),
            pltpu.VMEM((2 * 2 * 8, PITCH), jnp.float32),
            pltpu.VMEM((MAXLEN, EMB), jnp.float32),
            pltpu.SemaphoreType.DMA,
            pltpu.SemaphoreType.DMA((NB,)),
            pltpu.SemaphoreType.DMA((2,)),
        ],
        compiler_params=pltpu.CompilerParams(use_tc_tiling_on_sc=False,
                                             needs_layout_passes=False),
    )
    def emb_kernel(x_hbm, tok_hbm, pos_hbm, out_hbm, idx_v, tok_v,
                   ob0, ob1, ob2, ob3, pos_v, psem, gsem, osem):
        obufs = (ob0, ob1, ob2, ob3)
        wid = lax.axis_index("s") * NUM_CORES + lax.axis_index("c")

        pltpu.async_copy(pos_hbm, pos_v, psem)
        pltpu.async_copy(x_hbm.at[pl.ds(0, LTILES), wid], idx_v, psem)
        pltpu.make_async_copy(pos_hbm, pos_v, psem).wait()
        pltpu.make_async_copy(x_hbm.at[pl.ds(0, LTILES), wid], idx_v,
                              psem).wait()

        def gather_desc(l):
            lt = l // 8
            li = lax.rem(l, 8)
            s = lax.rem(l, NB)
            return (tok_hbm.at[idx_v.at[lt, pl.ds(li * BTILE, BTILE)]],
                    tok_v.at[s], gsem.at[s])

        def out_descs(l, p):
            descs = []
            for j in range(NGRP):
                for k in range(2):
                    src = obufs[j].at[pl.ds(p * 16 + k * 8, 8),
                                      pl.ds(0, BTILE)]
                    descs.append((src, out_hbm.at[l, 2 * j + k, wid],
                                  osem.at[p]))
            return descs

        for l0 in range(LA):
            pltpu.async_copy(*gather_desc(l0))

        lane = lax.iota(jnp.int32, 16)
        zero16 = lane * 0

        def pos_body(l, carry):
            @pl.when(l + LA < MAXLEN)
            def _issue_ahead():
                pltpu.async_copy(*gather_desc(l + LA))

            s = lax.rem(l, NB)
            p = lax.rem(l, 2)
            pltpu.make_async_copy(*gather_desc(l)).wait()

            @pl.when(l >= 2)
            def _drain_out():
                for d in out_descs(l - 2, p):
                    pltpu.make_async_copy(*d).wait()

            tv = tok_v.at[s]
            pvec = [pos_v[l, pl.ds(j * 16, 16)] for j in range(NGRP)]
            rowv = lane + p * 16

            @plsc.parallel_loop(0, BTILE, 1, unroll=8, carry=zero16)
            def b_body(b, colv):
                for j in range(NGRP):
                    v = tv[b, pl.ds(j * 16, 16)] + pvec[j]
                    plsc.store_scatter(obufs[j], [rowv, colv], v)
                return colv + 1

            for d in out_descs(l, p):
                pltpu.async_copy(*d)
            return carry

        lax.fori_loop(0, MAXLEN, pos_body, 0)
        for ll in range(MAXLEN - 2, MAXLEN):
            for d in out_descs(ll, lax.rem(ll, 2)):
                pltpu.make_async_copy(*d).wait()

    return emb_kernel


_EMB_KERNEL = _make_kernel()


def kernel(x, token_table, pos_table):
    xv = (x.astype(jnp.int32).T
          .reshape(LTILES, 8, NW, BTILE)
          .transpose(0, 2, 1, 3)
          .reshape(LTILES, NW, 8 * BTILE))
    o5 = _EMB_KERNEL(xv, token_table, pos_table)
    return (o5.transpose(2, 4, 0, 1, 3)
            .reshape(BATCH, MAXLEN, EMB))

# --- scband reference (transcript-rebuilt; emitter-appended) ---
"""Pipeline reference for scband-token-and-position-embedding-65283502899903 (READ-ONLY COPY).

The authoritative reference and input builder live on the scoring server;
editing this copy changes nothing except your own understanding.
"""

import jax, jax.numpy as jnp
import numpy as np

VOCAB = 1000000
EMB_DIM = 64
MAXLEN = 200
BATCH = 4096

def setup_inputs(seed: int = 0) -> dict:
    key = jax.random.key(seed)
    k1, k2, k3 = jax.random.split(key, 3)
    x = jax.random.randint(k1, (BATCH, MAXLEN), 0, VOCAB, dtype=jnp.int64 if jax.config.jax_enable_x64 else jnp.int32)
    token_table = jax.random.normal(k2, (VOCAB, EMB_DIM), dtype=jnp.float32) * 0.02
    pos_table = jax.random.normal(k3, (MAXLEN, EMB_DIM), dtype=jnp.float32) * 0.02
    return {"x": x, "token_table": token_table, "pos_table": pos_table}

def reference(x, token_table, pos_table):
    # maxlen = x.shape[-1]; positions = range(maxlen)
    maxlen = x.shape[-1]
    positions = jnp.arange(0, maxlen)
    pos_emb = jnp.take(pos_table, positions, axis=0)          # [maxlen, d]
    tok_emb = jnp.take(token_table, x, axis=0)                # [B, maxlen, d]
    return tok_emb + pos_emb[None, :, :]

if __name__ == "__main__":
    import jax
    _d = setup_inputs()
    print(jax.jit(kernel)(*tuple(_d.values())))

</pallas_src>

<mosaic_0001>
#map = affine_map<(d0, d1) -> (0, 0, 0)>
#map1 = affine_map<(d0, d1) -> (0, 0)>
#map2 = affine_map<(d0, d1) -> (0, 0, 0, 0, 0)>
module attributes {stable_mosaic.version = 14 : i64} {
  func.func @emb_kernel(%arg0: i32, %arg1: i32, %arg2: memref<25x32x1024xi32, #tpu.memory_space<hbm>>, %arg3: memref<1000000x64xf32, #tpu.memory_space<hbm>>, %arg4: memref<200x64xf32, #tpu.memory_space<hbm>>, %arg5: memref<200x8x32x8x128xf32, #tpu.memory_space<hbm>>, %arg6: memref<25x1024xi32, #tpu.memory_space<vmem>>, %arg7: memref<6x128x64xf32, #tpu.memory_space<vmem>>, %arg8: memref<32x129xf32, #tpu.memory_space<vmem>>, %arg9: memref<32x129xf32, #tpu.memory_space<vmem>>, %arg10: memref<32x129xf32, #tpu.memory_space<vmem>>, %arg11: memref<32x129xf32, #tpu.memory_space<vmem>>, %arg12: memref<200x64xf32, #tpu.memory_space<vmem>>, %arg13: memref<!tpu.dma_semaphore, #tpu.memory_space<semaphore_mem>>, %arg14: memref<6x!tpu.dma_semaphore, #tpu.memory_space<semaphore_mem>>, %arg15: memref<2x!tpu.dma_semaphore, #tpu.memory_space<semaphore_mem>>) attributes {dimension_semantics = [#tpu.dimension_semantics<core_parallel>, #tpu.dimension_semantics<subcore_parallel>], iteration_bounds = array<i64: 2, 16>, scalar_prefetch = 0 : i64, scratch_operands = 10 : i64, tpu.core_type = #tpu.core_type<sc_vector_subcore>, window_params = [{transform_indices = #map}, {transform_indices = #map1}, {transform_indices = #map1}, {transform_indices = #map2}]} {
    %mul3A = arith.constant 2 : i32
    %mul3A_0 = arith.muli %arg1, %mul3A : i32
    %add3A = arith.addi %mul3A_0, %arg0 : i32
    tpu.enqueue_dma source(%arg4 : memref<200x64xf32, #tpu.memory_space<hbm>>) target(%arg12 : memref<200x64xf32, #tpu.memory_space<vmem>>) target_semaphore(%arg13 : memref<!tpu.dma_semaphore, #tpu.memory_space<semaphore_mem>>)
    %dma_start3A = arith.constant 0 : i32
    %dma_start3A_1 = arith.constant 0 : i32
    %dma_start3A_2 = tpu.memref_slice %arg2[%dma_start3A, %add3A, %dma_start3A_1] : memref<25x32x1024xi32, #tpu.memory_space<hbm>> -> memref<25x1x1024xi32, #tpu.memory_space<hbm>>
    %dma_start3A_3 = tpu.memref_squeeze %dma_start3A_2 : memref<25x1x1024xi32, #tpu.memory_space<hbm>> -> memref<25x1024xi32, #tpu.memory_space<hbm>>
    %dma_start3A_4 = arith.constant 0 : i32
    %dma_start3A_5 = arith.constant 0 : i32
    %dma_start3A_6 = tpu.memref_slice %arg2[%dma_start3A_4, %add3A, %dma_start3A_5] : memref<25x32x1024xi32, #tpu.memory_space<hbm>> -> memref<25x1x1024xi32, #tpu.memory_space<hbm>>
    %dma_start3A_7 = tpu.memref_squeeze %dma_start3A_6 : memref<25x1x1024xi32, #tpu.memory_space<hbm>> -> memref<25x1024xi32, #tpu.memory_space<hbm>>
    tpu.enqueue_dma source(%dma_start3A_7 : memref<25x1024xi32, #tpu.memory_space<hbm>>) target(%arg6 : memref<25x1024xi32, #tpu.memory_space<vmem>>) target_semaphore(%arg13 : memref<!tpu.dma_semaphore, #tpu.memory_space<semaphore_mem>>)
    tpu.wait_dma2 semaphore(%arg13 : memref<!tpu.dma_semaphore, #tpu.memory_space<semaphore_mem>>) src(%arg4 : memref<200x64xf32, #tpu.memory_space<hbm>>) dst(%arg12 : memref<200x64xf32, #tpu.memory_space<vmem>>)
    %dma_wait3A = arith.constant 0 : i32
    %dma_wait3A_8 = arith.constant 0 : i32
    %dma_wait3A_9 = tpu.memref_slice %arg2[%dma_wait3A, %add3A, %dma_wait3A_8] : memref<25x32x1024xi32, #tpu.memory_space<hbm>> -> memref<25x1x1024xi32, #tpu.memory_space<hbm>>
    %dma_wait3A_10 = tpu.memref_squeeze %dma_wait3A_9 : memref<25x1x1024xi32, #tpu.memory_space<hbm>> -> memref<25x1024xi32, #tpu.memory_space<hbm>>
    %dma_wait3A_11 = arith.constant 0 : i32
    %dma_wait3A_12 = arith.constant 0 : i32
    %dma_wait3A_13 = tpu.memref_slice %arg2[%dma_wait3A_11, %add3A, %dma_wait3A_12] : memref<25x32x1024xi32, #tpu.memory_space<hbm>> -> memref<25x1x1024xi32, #tpu.memory_space<hbm>>
    %dma_wait3A_14 = tpu.memref_squeeze %dma_wait3A_13 : memref<25x1x1024xi32, #tpu.memory_space<hbm>> -> memref<25x1024xi32, #tpu.memory_space<hbm>>
    tpu.wait_dma2 semaphore(%arg13 : memref<!tpu.dma_semaphore, #tpu.memory_space<semaphore_mem>>) src(%dma_wait3A_14 : memref<25x1024xi32, #tpu.memory_space<hbm>>) dst(%arg6 : memref<25x1024xi32, #tpu.memory_space<vmem>>)
    %rem3A = arith.constant 0 : i32
    %rem3A_15 = arith.constant 8 : i32
    %rem3A_16 = arith.remsi %rem3A, %rem3A_15 : i32
    %rem3A_17 = arith.constant 0 : i32
    %rem3A_18 = arith.constant 6 : i32
    %rem3A_19 = arith.remsi %rem3A_17, %rem3A_18 : i32
    %mul3A_20 = arith.constant 128 : i32
    %mul3A_21 = arith.muli %rem3A_16, %mul3A_20 : i32
    %dma_start3A_22 = arith.constant 0 : i32
    %dma_start3A_23 = arith.constant 0 : i32
    %dma_start3A_24 = arith.constant 0 : i32
    %dma_start3A_25 = tpu.memref_slice %arg7[%rem3A_19, %dma_start3A_23, %dma_start3A_24] : memref<6x128x64xf32, #tpu.memory_space<vmem>> -> memref<1x128x64xf32, #tpu.memory_space<vmem>>
    %dma_start3A_26 = tpu.memref_squeeze %dma_start3A_25 : memref<1x128x64xf32, #tpu.memory_space<vmem>> -> memref<128x64xf32, #tpu.memory_space<vmem>>
    %dma_start3A_27 = tpu.memref_slice %arg6[%dma_start3A_22, %mul3A_21] : memref<25x1024xi32, #tpu.memory_space<vmem>> -> memref<1x128xi32, #tpu.memory_space<vmem>>
    %dma_start3A_28 = tpu.memref_squeeze %dma_start3A_27 : memref<1x128xi32, #tpu.memory_space<vmem>> -> memref<128xi32, #tpu.memory_space<vmem>>
    %dma_start3A_29 = arith.constant 0 : i32
    %dma_start3A_30 = arith.constant 0 : i32
    %dma_start3A_31 = tpu.memref_slice %arg3[%dma_start3A_29, %dma_start3A_30] : memref<1000000x64xf32, #tpu.memory_space<hbm>> -> memref<1000000x64xf32, #tpu.memory_space<hbm>>
    %dma_start3A_32 = tpu.memref_slice %arg14[%rem3A_19] : memref<6x!tpu.dma_semaphore, #tpu.memory_space<semaphore_mem>> -> memref<1x!tpu.dma_semaphore, #tpu.memory_space<semaphore_mem>>
    %dma_start3A_33 = tpu.memref_squeeze %dma_start3A_32 : memref<1x!tpu.dma_semaphore, #tpu.memory_space<semaphore_mem>> -> memref<!tpu.dma_semaphore, #tpu.memory_space<semaphore_mem>>
    tpu.enqueue_indirect_dma source(%dma_start3A_31 : memref<1000000x64xf32, #tpu.memory_space<hbm>>) target(%dma_start3A_26 : memref<128x64xf32, #tpu.memory_space<vmem>>) offsets(%dma_start3A_28 : memref<128xi32, #tpu.memory_space<vmem>>) semaphore(%dma_start3A_33 : memref<!tpu.dma_semaphore, #tpu.memory_space<semaphore_mem>>)
    %rem3A_34 = arith.constant 1 : i32
    %rem3A_35 = arith.constant 8 : i32
    %rem3A_36 = arith.remsi %rem3A_34, %rem3A_35 : i32
    %rem3A_37 = arith.constant 1 : i32
    %rem3A_38 = arith.constant 6 : i32
    %rem3A_39 = arith.remsi %rem3A_37, %rem3A_38 : i32
    %mul3A_40 = arith.constant 128 : i32
    %mul3A_41 = arith.muli %rem3A_36, %mul3A_40 : i32
    %dma_start3A_42 = arith.constant 0 : i32
    %dma_start3A_43 = arith.constant 0 : i32
    %dma_start3A_44 = arith.constant 0 : i32
    %dma_start3A_45 = tpu.memref_slice %arg7[%rem3A_39, %dma_start3A_43, %dma_start3A_44] : memref<6x128x64xf32, #tpu.memory_space<vmem>> -> memref<1x128x64xf32, #tpu.memory_space<vmem>>
    %dma_start3A_46 = tpu.memref_squeeze %dma_start3A_45 : memref<1x128x64xf32, #tpu.memory_space<vmem>> -> memref<128x64xf32, #tpu.memory_space<vmem>>
    %dma_start3A_47 = tpu.memref_slice %arg6[%dma_start3A_42, %mul3A_41] : memref<25x1024xi32, #tpu.memory_space<vmem>> -> memref<1x128xi32, #tpu.memory_space<vmem>>
    %dma_start3A_48 = tpu.memref_squeeze %dma_start3A_47 : memref<1x128xi32, #tpu.memory_space<vmem>> -> memref<128xi32, #tpu.memory_space<vmem>>
    %dma_start3A_49 = arith.constant 0 : i32
    %dma_start3A_50 = arith.constant 0 : i32
    %dma_start3A_51 = tpu.memref_slice %arg3[%dma_start3A_49, %dma_start3A_50] : memref<1000000x64xf32, #tpu.memory_space<hbm>> -> memref<1000000x64xf32, #tpu.memory_space<hbm>>
    %dma_start3A_52 = tpu.memref_slice %arg14[%rem3A_39] : memref<6x!tpu.dma_semaphore, #tpu.memory_space<semaphore_mem>> -> memref<1x!tpu.dma_semaphore, #tpu.memory_space<semaphore_mem>>
    %dma_start3A_53 = tpu.memref_squeeze %dma_start3A_52 : memref<1x!tpu.dma_semaphore, #tpu.memory_space<semaphore_mem>> -> memref<!tpu.dma_semaphore, #tpu.memory_space<semaphore_mem>>
    tpu.enqueue_indirect_dma source(%dma_start3A_51 : memref<1000000x64xf32, #tpu.memory_space<hbm>>) target(%dma_start3A_46 : memref<128x64xf32, #tpu.memory_space<vmem>>) offsets(%dma_start3A_48 : memref<128xi32, #tpu.memory_space<vmem>>) semaphore(%dma_start3A_53 : memref<!tpu.dma_semaphore, #tpu.memory_space<semaphore_mem>>)
    %rem3A_54 = arith.constant 2 : i32
    %rem3A_55 = arith.constant 8 : i32
    %rem3A_56 = arith.remsi %rem3A_54, %rem3A_55 : i32
    %rem3A_57 = arith.constant 2 : i32
    %rem3A_58 = arith.constant 6 : i32
    %rem3A_59 = arith.remsi %rem3A_57, %rem3A_58 : i32
    %mul3A_60 = arith.constant 128 : i32
    %mul3A_61 = arith.muli %rem3A_56, %mul3A_60 : i32
    %dma_start3A_62 = arith.constant 0 : i32
    %dma_start3A_63 = arith.constant 0 : i32
    %dma_start3A_64 = arith.constant 0 : i32
    %dma_start3A_65 = tpu.memref_slice %arg7[%rem3A_59, %dma_start3A_63, %dma_start3A_64] : memref<6x128x64xf32, #tpu.memory_space<vmem>> -> memref<1x128x64xf32, #tpu.memory_space<vmem>>
    %dma_start3A_66 = tpu.memref_squeeze %dma_start3A_65 : memref<1x128x64xf32, #tpu.memory_space<vmem>> -> memref<128x64xf32, #tpu.memory_space<vmem>>
    %dma_start3A_67 = tpu.memref_slice %arg6[%dma_start3A_62, %mul3A_61] : memref<25x1024xi32, #tpu.memory_space<vmem>> -> memref<1x128xi32, #tpu.memory_space<vmem>>
    %dma_start3A_68 = tpu.memref_squeeze %dma_start3A_67 : memref<1x128xi32, #tpu.memory_space<vmem>> -> memref<128xi32, #tpu.memory_space<vmem>>
    %dma_start3A_69 = arith.constant 0 : i32
    %dma_start3A_70 = arith.constant 0 : i32
    %dma_start3A_71 = tpu.memref_slice %arg3[%dma_start3A_69, %dma_start3A_70] : memref<1000000x64xf32, #tpu.memory_space<hbm>> -> memref<1000000x64xf32, #tpu.memory_space<hbm>>
    %dma_start3A_72 = tpu.memref_slice %arg14[%rem3A_59] : memref<6x!tpu.dma_semaphore, #tpu.memory_space<semaphore_mem>> -> memref<1x!tpu.dma_semaphore, #tpu.memory_space<semaphore_mem>>
    %dma_start3A_73 = tpu.memref_squeeze %dma_start3A_72 : memref<1x!tpu.dma_semaphore, #tpu.memory_space<semaphore_mem>> -> memref<!tpu.dma_semaphore, #tpu.memory_space<semaphore_mem>>
    tpu.enqueue_indirect_dma source(%dma_start3A_71 : memref<1000000x64xf32, #tpu.memory_space<hbm>>) target(%dma_start3A_66 : memref<128x64xf32, #tpu.memory_space<vmem>>) offsets(%dma_start3A_68 : memref<128xi32, #tpu.memory_space<vmem>>) semaphore(%dma_start3A_73 : memref<!tpu.dma_semaphore, #tpu.memory_space<semaphore_mem>>)
    %rem3A_74 = arith.constant 3 : i32
    %rem3A_75 = arith.constant 8 : i32
    %rem3A_76 = arith.remsi %rem3A_74, %rem3A_75 : i32
    %rem3A_77 = arith.constant 3 : i32
    %rem3A_78 = arith.constant 6 : i32
    %rem3A_79 = arith.remsi %rem3A_77, %rem3A_78 : i32
    %mul3A_80 = arith.constant 128 : i32
    %mul3A_81 = arith.muli %rem3A_76, %mul3A_80 : i32
    %dma_start3A_82 = arith.constant 0 : i32
    %dma_start3A_83 = arith.constant 0 : i32
    %dma_start3A_84 = arith.constant 0 : i32
    %dma_start3A_85 = tpu.memref_slice %arg7[%rem3A_79, %dma_start3A_83, %dma_start3A_84] : memref<6x128x64xf32, #tpu.memory_space<vmem>> -> memref<1x128x64xf32, #tpu.memory_space<vmem>>
    %dma_start3A_86 = tpu.memref_squeeze %dma_start3A_85 : memref<1x128x64xf32, #tpu.memory_space<vmem>> -> memref<128x64xf32, #tpu.memory_space<vmem>>
    %dma_start3A_87 = tpu.memref_slice %arg6[%dma_start3A_82, %mul3A_81] : memref<25x1024xi32, #tpu.memory_space<vmem>> -> memref<1x128xi32, #tpu.memory_space<vmem>>
    %dma_start3A_88 = tpu.memref_squeeze %dma_start3A_87 : memref<1x128xi32, #tpu.memory_space<vmem>> -> memref<128xi32, #tpu.memory_space<vmem>>
    %dma_start3A_89 = arith.constant 0 : i32
    %dma_start3A_90 = arith.constant 0 : i32
    %dma_start3A_91 = tpu.memref_slice %arg3[%dma_start3A_89, %dma_start3A_90] : memref<1000000x64xf32, #tpu.memory_space<hbm>> -> memref<1000000x64xf32, #tpu.memory_space<hbm>>
    %dma_start3A_92 = tpu.memref_slice %arg14[%rem3A_79] : memref<6x!tpu.dma_semaphore, #tpu.memory_space<semaphore_mem>> -> memref<1x!tpu.dma_semaphore, #tpu.memory_space<semaphore_mem>>
    %dma_start3A_93 = tpu.memref_squeeze %dma_start3A_92 : memref<1x!tpu.dma_semaphore, #tpu.memory_space<semaphore_mem>> -> memref<!tpu.dma_semaphore, #tpu.memory_space<semaphore_mem>>
    tpu.enqueue_indirect_dma source(%dma_start3A_91 : memref<1000000x64xf32, #tpu.memory_space<hbm>>) target(%dma_start3A_86 : memref<128x64xf32, #tpu.memory_space<vmem>>) offsets(%dma_start3A_88 : memref<128xi32, #tpu.memory_space<vmem>>) semaphore(%dma_start3A_93 : memref<!tpu.dma_semaphore, #tpu.memory_space<semaphore_mem>>)
    %rem3A_94 = arith.constant 4 : i32
    %rem3A_95 = arith.constant 8 : i32
    %rem3A_96 = arith.remsi %rem3A_94, %rem3A_95 : i32
    %rem3A_97 = arith.constant 4 : i32
    %rem3A_98 = arith.constant 6 : i32
    %rem3A_99 = arith.remsi %rem3A_97, %rem3A_98 : i32
    %mul3A_100 = arith.constant 128 : i32
    %mul3A_101 = arith.muli %rem3A_96, %mul3A_100 : i32
    %dma_start3A_102 = arith.constant 0 : i32
    %dma_start3A_103 = arith.constant 0 : i32
    %dma_start3A_104 = arith.constant 0 : i32
    %dma_start3A_105 = tpu.memref_slice %arg7[%rem3A_99, %dma_start3A_103, %dma_start3A_104] : memref<6x128x64xf32, #tpu.memory_space<vmem>> -> memref<1x128x64xf32, #tpu.memory_space<vmem>>
    %dma_start3A_106 = tpu.memref_squeeze %dma_start3A_105 : memref<1x128x64xf32, #tpu.memory_space<vmem>> -> memref<128x64xf32, #tpu.memory_space<vmem>>
    %dma_start3A_107 = tpu.memref_slice %arg6[%dma_start3A_102, %mul3A_101] : memref<25x1024xi32, #tpu.memory_space<vmem>> -> memref<1x128xi32, #tpu.memory_space<vmem>>
    %dma_start3A_108 = tpu.memref_squeeze %dma_start3A_107 : memref<1x128xi32, #tpu.memory_space<vmem>> -> memref<128xi32, #tpu.memory_space<vmem>>
    %dma_start3A_109 = arith.constant 0 : i32
    %dma_start3A_110 = arith.constant 0 : i32
    %dma_start3A_111 = tpu.memref_slice %arg3[%dma_start3A_109, %dma_start3A_110] : memref<1000000x64xf32, #tpu.memory_space<hbm>> -> memref<1000000x64xf32, #tpu.memory_space<hbm>>
    %dma_start3A_112 = tpu.memref_slice %arg14[%rem3A_99] : memref<6x!tpu.dma_semaphore, #tpu.memory_space<semaphore_mem>> -> memref<1x!tpu.dma_semaphore, #tpu.memory_space<semaphore_mem>>
    %dma_start3A_113 = tpu.memref_squeeze %dma_start3A_112 : memref<1x!tpu.dma_semaphore, #tpu.memory_space<semaphore_mem>> -> memref<!tpu.dma_semaphore, #tpu.memory_space<semaphore_mem>>
    tpu.enqueue_indirect_dma source(%dma_start3A_111 : memref<1000000x64xf32, #tpu.memory_space<hbm>>) target(%dma_start3A_106 : memref<128x64xf32, #tpu.memory_space<vmem>>) offsets(%dma_start3A_108 : memref<128xi32, #tpu.memory_space<vmem>>) semaphore(%dma_start3A_113 : memref<!tpu.dma_semaphore, #tpu.memory_space<semaphore_mem>>)
    %iota3A = tpu.iota {dimensions = array<i32: 0>} : vector<16xi32>
    %mul3A_114 = arith.constant 0 : i32
    %mul3A_115 = vector.broadcast %mul3A_114 : i32 to vector<16xi32>
    %mul3A_116 = arith.muli %iota3A, %mul3A_115 : vector<16xi32>
    %scan3A = arith.constant 0 : i32
    %scan3A_117 = arith.constant 0 : i32
    %scan3A_118 = arith.constant 200 : i32
    %scan3A_119 = arith.addi %scan3A_117, %scan3A_118 : i32
    %scan3A_120 = arith.constant 1 : i32
    scf.for %scan3A_448 = %scan3A_117 to %scan3A_119 step %scan3A_120  : i32 {
      %add3A_449 = arith.constant 5 : i32
      %add3A_450 = arith.addi %scan3A_448, %add3A_449 : i32
      %lt3A = arith.constant 200 : i32
      %lt3A_451 = arith.cmpi slt, %add3A_450, %lt3A : i32
      %convert_element_type3A = arith.extui %lt3A_451 : i1 to i32
      %cond3A = arith.constant 0 : i32
      %cond3A_452 = arith.cmpi ne, %convert_element_type3A, %cond3A : i32
      scf.if %cond3A_452 {
        %add3A_665 = arith.constant 5 : i32
        %add3A_666 = arith.addi %scan3A_448, %add3A_665 : i32
        %jit3A_667 = arith.constant 8 : i32
        %div3A_668 = arith.divsi %add3A_666, %jit3A_667 : i32
        %sign3A_669 = arith.constant 0 : i32
        %sign3A_670 = arith.cmpi sgt, %add3A_666, %sign3A_669 : i32
        %sign3A_671 = arith.extui %sign3A_670 : i1 to i32
        %sign3A_672 = arith.constant 0 : i32
        %sign3A_673 = arith.cmpi slt, %add3A_666, %sign3A_672 : i32
        %sign3A_674 = arith.extui %sign3A_673 : i1 to i32
        %sign3A_675 = arith.subi %sign3A_671, %sign3A_674 : i32
        %sign3A_676 = arith.constant 0 : i32
        %sign3A_677 = arith.cmpi sgt, %jit3A_667, %sign3A_676 : i32
        %sign3A_678 = arith.extui %sign3A_677 : i1 to i32
        %sign3A_679 = arith.constant 0 : i32
        %sign3A_680 = arith.cmpi slt, %jit3A_667, %sign3A_679 : i32
        %sign3A_681 = arith.extui %sign3A_680 : i1 to i32
        %sign3A_682 = arith.subi %sign3A_678, %sign3A_681 : i32
        %ne3A_683 = arith.cmpi ne, %sign3A_675, %sign3A_682 : i32
        %rem3A_684 = arith.remsi %add3A_666, %jit3A_667 : i32
        %ne3A_685 = arith.constant 0 : i32
        %ne3A_686 = arith.cmpi ne, %rem3A_684, %ne3A_685 : i32
        %and3A_687 = arith.andi %ne3A_683, %ne3A_686 : i1
        %sub3A_688 = arith.constant 1 : i32
        %sub3A_689 = arith.subi %div3A_668, %sub3A_688 : i32
        %select_n3A_690 = arith.select %and3A_687, %sub3A_689, %div3A_668 : i32
        %rem3A_691 = arith.constant 8 : i32
        %rem3A_692 = arith.remsi %add3A_666, %rem3A_691 : i32
        %rem3A_693 = arith.constant 6 : i32
        %rem3A_694 = arith.remsi %add3A_666, %rem3A_693 : i32
        %mul3A_695 = arith.constant 128 : i32
        %mul3A_696 = arith.muli %rem3A_692, %mul3A_695 : i32
        %dma_start3A_697 = arith.constant 0 : i32
        %dma_start3A_698 = arith.constant 0 : i32
        %dma_start3A_699 = tpu.memref_slice %arg7[%rem3A_694, %dma_start3A_697, %dma_start3A_698] : memref<6x128x64xf32, #tpu.memory_space<vmem>> -> memref<1x128x64xf32, #tpu.memory_space<vmem>>
        %dma_start3A_700 = tpu.memref_squeeze %dma_start3A_699 : memref<1x128x64xf32, #tpu.memory_space<vmem>> -> memref<128x64xf32, #tpu.memory_space<vmem>>
        %dma_start3A_701 = tpu.memref_slice %arg6[%select_n3A_690, %mul3A_696] : memref<25x1024xi32, #tpu.memory_space<vmem>> -> memref<1x128xi32, #tpu.memory_space<vmem>>
        %dma_start3A_702 = tpu.memref_squeeze %dma_start3A_701 : memref<1x128xi32, #tpu.memory_space<vmem>> -> memref<128xi32, #tpu.memory_space<vmem>>
        %dma_start3A_703 = arith.constant 0 : i32
        %dma_start3A_704 = arith.constant 0 : i32
        %dma_start3A_705 = tpu.memref_slice %arg3[%dma_start3A_703, %dma_start3A_704] : memref<1000000x64xf32, #tpu.memory_space<hbm>> -> memref<1000000x64xf32, #tpu.memory_space<hbm>>
        %dma_start3A_706 = tpu.memref_slice %arg14[%rem3A_694] : memref<6x!tpu.dma_semaphore, #tpu.memory_space<semaphore_mem>> -> memref<1x!tpu.dma_semaphore, #tpu.memory_space<semaphore_mem>>
        %dma_start3A_707 = tpu.memref_squeeze %dma_start3A_706 : memref<1x!tpu.dma_semaphore, #tpu.memory_space<semaphore_mem>> -> memref<!tpu.dma_semaphore, #tpu.memory_space<semaphore_mem>>
        tpu.enqueue_indirect_dma source(%dma_start3A_705 : memref<1000000x64xf32, #tpu.memory_space<hbm>>) target(%dma_start3A_700 : memref<128x64xf32, #tpu.memory_space<vmem>>) offsets(%dma_start3A_702 : memref<128xi32, #tpu.memory_space<vmem>>) semaphore(%dma_start3A_707 : memref<!tpu.dma_semaphore, #tpu.memory_space<semaphore_mem>>)
      } else {
      }
      %rem3A_453 = arith.constant 6 : i32
      %rem3A_454 = arith.remsi %scan3A_448, %rem3A_453 : i32
      %rem3A_455 = arith.constant 2 : i32
      %rem3A_456 = arith.remsi %scan3A_448, %rem3A_455 : i32
      %jit3A = arith.constant 8 : i32
      %div3A = arith.divsi %scan3A_448, %jit3A : i32
      %sign3A = arith.constant 0 : i32
      %sign3A_457 = arith.cmpi sgt, %scan3A_448, %sign3A : i32
      %sign3A_458 = arith.extui %sign3A_457 : i1 to i32
      %sign3A_459 = arith.constant 0 : i32
      %sign3A_460 = arith.cmpi slt, %scan3A_448, %sign3A_459 : i32
      %sign3A_461 = arith.extui %sign3A_460 : i1 to i32
      %sign3A_462 = arith.subi %sign3A_458, %sign3A_461 : i32
      %sign3A_463 = arith.constant 0 : i32
      %sign3A_464 = arith.cmpi sgt, %jit3A, %sign3A_463 : i32
      %sign3A_465 = arith.extui %sign3A_464 : i1 to i32
      %sign3A_466 = arith.constant 0 : i32
      %sign3A_467 = arith.cmpi slt, %jit3A, %sign3A_466 : i32
      %sign3A_468 = arith.extui %sign3A_467 : i1 to i32
      %sign3A_469 = arith.subi %sign3A_465, %sign3A_468 : i32
      %ne3A = arith.cmpi ne, %sign3A_462, %sign3A_469 : i32
      %rem3A_470 = arith.remsi %scan3A_448, %jit3A : i32
      %ne3A_471 = arith.constant 0 : i32
      %ne3A_472 = arith.cmpi ne, %rem3A_470, %ne3A_471 : i32
      %and3A = arith.andi %ne3A, %ne3A_472 : i1
      %sub3A = arith.constant 1 : i32
      %sub3A_473 = arith.subi %div3A, %sub3A : i32
      %select_n3A = arith.select %and3A, %sub3A_473, %div3A : i32
      %rem3A_474 = arith.constant 8 : i32
      %rem3A_475 = arith.remsi %scan3A_448, %rem3A_474 : i32
      %rem3A_476 = arith.constant 6 : i32
      %rem3A_477 = arith.remsi %scan3A_448, %rem3A_476 : i32
      %mul3A_478 = arith.constant 128 : i32
      %mul3A_479 = arith.muli %rem3A_475, %mul3A_478 : i32
      %dma_wait3A_480 = arith.constant 0 : i32
      %dma_wait3A_481 = arith.constant 0 : i32
      %dma_wait3A_482 = tpu.memref_slice %arg7[%rem3A_477, %dma_wait3A_480, %dma_wait3A_481] : memref<6x128x64xf32, #tpu.memory_space<vmem>> -> memref<1x128x64xf32, #tpu.memory_space<vmem>>
      %dma_wait3A_483 = tpu.memref_squeeze %dma_wait3A_482 : memref<1x128x64xf32, #tpu.memory_space<vmem>> -> memref<128x64xf32, #tpu.memory_space<vmem>>
      %dma_wait3A_484 = tpu.memref_slice %arg6[%select_n3A, %mul3A_479] : memref<25x1024xi32, #tpu.memory_space<vmem>> -> memref<1x128xi32, #tpu.memory_space<vmem>>
      %dma_wait3A_485 = tpu.memref_squeeze %dma_wait3A_484 : memref<1x128xi32, #tpu.memory_space<vmem>> -> memref<128xi32, #tpu.memory_space<vmem>>
      %dma_wait3A_486 = arith.constant 0 : i32
      %dma_wait3A_487 = arith.constant 0 : i32
      %dma_wait3A_488 = tpu.memref_slice %arg3[%dma_wait3A_486, %dma_wait3A_487] : memref<1000000x64xf32, #tpu.memory_space<hbm>> -> memref<1000000x64xf32, #tpu.memory_space<hbm>>
      %dma_wait3A_489 = tpu.memref_slice %arg14[%rem3A_477] : memref<6x!tpu.dma_semaphore, #tpu.memory_space<semaphore_mem>> -> memref<1x!tpu.dma_semaphore, #tpu.memory_space<semaphore_mem>>
      %dma_wait3A_490 = tpu.memref_squeeze %dma_wait3A_489 : memref<1x!tpu.dma_semaphore, #tpu.memory_space<semaphore_mem>> -> memref<!tpu.dma_semaphore, #tpu.memory_space<semaphore_mem>>
      tpu.wait_indirect_dma semaphore(%dma_wait3A_490 : memref<!tpu.dma_semaphore, #tpu.memory_space<semaphore_mem>>) src(%dma_wait3A_488 : memref<1000000x64xf32, #tpu.memory_space<hbm>>) dst(%dma_wait3A_483 : memref<128x64xf32, #tpu.memory_space<vmem>>)
      %ge3A = arith.constant 2 : i32
      %ge3A_491 = arith.cmpi sge, %scan3A_448, %ge3A : i32
      %convert_element_type3A_492 = arith.extui %ge3A_491 : i1 to i32
      %cond3A_493 = arith.constant 0 : i32
      %cond3A_494 = arith.cmpi ne, %convert_element_type3A_492, %cond3A_493 : i32
      scf.if %cond3A_494 {
        %sub3A_665 = arith.constant 2 : i32
        %sub3A_666 = arith.subi %scan3A_448, %sub3A_665 : i32
        %mul3A_667 = arith.constant 16 : i32
        %mul3A_668 = arith.muli %rem3A_456, %mul3A_667 : i32
        %add3A_669 = arith.constant 0 : i32
        %add3A_670 = arith.addi %mul3A_668, %add3A_669 : i32
        %mul3A_671 = arith.constant 16 : i32
        %mul3A_672 = arith.muli %rem3A_456, %mul3A_671 : i32
        %add3A_673 = arith.constant 8 : i32
        %add3A_674 = arith.addi %mul3A_672, %add3A_673 : i32
        %mul3A_675 = arith.constant 16 : i32
        %mul3A_676 = arith.muli %rem3A_456, %mul3A_675 : i32
        %add3A_677 = arith.constant 0 : i32
        %add3A_678 = arith.addi %mul3A_676, %add3A_677 : i32
        %mul3A_679 = arith.constant 16 : i32
        %mul3A_680 = arith.muli %rem3A_456, %mul3A_679 : i32
        %add3A_681 = arith.constant 8 : i32
        %add3A_682 = arith.addi %mul3A_680, %add3A_681 : i32
        %mul3A_683 = arith.constant 16 : i32
        %mul3A_684 = arith.muli %rem3A_456, %mul3A_683 : i32
        %add3A_685 = arith.constant 0 : i32
        %add3A_686 = arith.addi %mul3A_684, %add3A_685 : i32
        %mul3A_687 = arith.constant 16 : i32
        %mul3A_688 = arith.muli %rem3A_456, %mul3A_687 : i32
        %add3A_689 = arith.constant 8 : i32
        %add3A_690 = arith.addi %mul3A_688, %add3A_689 : i32
        %mul3A_691 = arith.constant 16 : i32
        %mul3A_692 = arith.muli %rem3A_456, %mul3A_691 : i32
        %add3A_693 = arith.constant 0 : i32
        %add3A_694 = arith.addi %mul3A_692, %add3A_693 : i32
        %mul3A_695 = arith.constant 16 : i32
        %mul3A_696 = arith.muli %rem3A_456, %mul3A_695 : i32
        %add3A_697 = arith.constant 8 : i32
        %add3A_698 = arith.addi %mul3A_696, %add3A_697 : i32
        %dma_wait3A_699 = arith.constant 0 : i32
        %dma_wait3A_700 = arith.constant 0 : i32
        %dma_wait3A_701 = tpu.memref_slice %arg8[%add3A_670, %dma_wait3A_700] : memref<32x129xf32, #tpu.memory_space<vmem>> -> memref<8x128xf32, #tpu.memory_space<vmem>>
        %dma_wait3A_702 = arith.constant 0 : i32
        %dma_wait3A_703 = arith.constant 0 : i32
        %dma_wait3A_704 = tpu.memref_slice %arg5[%sub3A_666, %dma_wait3A_699, %add3A, %dma_wait3A_702, %dma_wait3A_703] : memref<200x8x32x8x128xf32, #tpu.memory_space<hbm>> -> memref<1x1x1x8x128xf32, #tpu.memory_space<hbm>>
        %dma_wait3A_705 = tpu.memref_squeeze %dma_wait3A_704 : memref<1x1x1x8x128xf32, #tpu.memory_space<hbm>> -> memref<8x128xf32, #tpu.memory_space<hbm>>
        %dma_wait3A_706 = tpu.memref_slice %arg15[%rem3A_456] : memref<2x!tpu.dma_semaphore, #tpu.memory_space<semaphore_mem>> -> memref<1x!tpu.dma_semaphore, #tpu.memory_space<semaphore_mem>>
        %dma_wait3A_707 = tpu.memref_squeeze %dma_wait3A_706 : memref<1x!tpu.dma_semaphore, #tpu.memory_space<semaphore_mem>> -> memref<!tpu.dma_semaphore, #tpu.memory_space<semaphore_mem>>
        %dma_wait3A_708 = arith.constant 0 : i32
        %dma_wait3A_709 = arith.constant 0 : i32
        %dma_wait3A_710 = tpu.memref_slice %arg5[%sub3A_666, %dma_wait3A_699, %add3A, %dma_wait3A_708, %dma_wait3A_709] : memref<200x8x32x8x128xf32, #tpu.memory_space<hbm>> -> memref<1x1x1x8x128xf32, #tpu.memory_space<hbm>>
        %dma_wait3A_711 = tpu.memref_squeeze %dma_wait3A_710 : memref<1x1x1x8x128xf32, #tpu.memory_space<hbm>> -> memref<8x128xf32, #tpu.memory_space<hbm>>
        %dma_wait3A_712 = arith.constant 0 : i32
        %dma_wait3A_713 = tpu.memref_slice %arg8[%add3A_670, %dma_wait3A_712] : memref<32x129xf32, #tpu.memory_space<vmem>> -> memref<8x128xf32, #tpu.memory_space<vmem>>
        tpu.wait_dma2 semaphore(%dma_wait3A_707 : memref<!tpu.dma_semaphore, #tpu.memory_space<semaphore_mem>>) src(%dma_wait3A_713 : memref<8x128xf32, #tpu.memory_space<vmem>>) dst(%dma_wait3A_711 : memref<8x128xf32, #tpu.memory_space<hbm>>)
        %dma_wait3A_714 = arith.constant 1 : i32
        %dma_wait3A_715 = arith.constant 0 : i32
        %dma_wait3A_716 = tpu.memref_slice %arg8[%add3A_674, %dma_wait3A_715] : memref<32x129xf32, #tpu.memory_space<vmem>> -> memref<8x128xf32, #tpu.memory_space<vmem>>
        %dma_wait3A_717 = arith.constant 0 : i32
        %dma_wait3A_718 = arith.constant 0 : i32
        %dma_wait3A_719 = tpu.memref_slice %arg5[%sub3A_666, %dma_wait3A_714, %add3A, %dma_wait3A_717, %dma_wait3A_718] : memref<200x8x32x8x128xf32, #tpu.memory_space<hbm>> -> memref<1x1x1x8x128xf32, #tpu.memory_space<hbm>>
        %dma_wait3A_720 = tpu.memref_squeeze %dma_wait3A_719 : memref<1x1x1x8x128xf32, #tpu.memory_space<hbm>> -> memref<8x128xf32, #tpu.memory_space<hbm>>
        %dma_wait3A_721 = tpu.memref_slice %arg15[%rem3A_456] : memref<2x!tpu.dma_semaphore, #tpu.memory_space<semaphore_mem>> -> memref<1x!tpu.dma_semaphore, #tpu.memory_space<semaphore_mem>>
        %dma_wait3A_722 = tpu.memref_squeeze %dma_wait3A_721 : memref<1x!tpu.dma_semaphore, #tpu.memory_space<semaphore_mem>> -> memref<!tpu.dma_semaphore, #tpu.memory_space<semaphore_mem>>
        %dma_wait3A_723 = arith.constant 0 : i32
        %dma_wait3A_724 = arith.constant 0 : i32
        %dma_wait3A_725 = tpu.memref_slice %arg5[%sub3A_666, %dma_wait3A_714, %add3A, %dma_wait3A_723, %dma_wait3A_724] : memref<200x8x32x8x128xf32, #tpu.memory_space<hbm>> -> memref<1x1x1x8x128xf32, #tpu.memory_space<hbm>>
        %dma_wait3A_726 = tpu.memref_squeeze %dma_wait3A_725 : memref<1x1x1x8x128xf32, #tpu.memory_space<hbm>> -> memref<8x128xf32, #tpu.memory_space<hbm>>
        %dma_wait3A_727 = arith.constant 0 : i32
        %dma_wait3A_728 = tpu.memref_slice %arg8[%add3A_674, %dma_wait3A_727] : memref<32x129xf32, #tpu.memory_space<vmem>> -> memref<8x128xf32, #tpu.memory_space<vmem>>
        tpu.wait_dma2 semaphore(%dma_wait3A_722 : memref<!tpu.dma_semaphore, #tpu.memory_space<semaphore_mem>>) src(%dma_wait3A_728 : memref<8x128xf32, #tpu.memory_space<vmem>>) dst(%dma_wait3A_726 : memref<8x128xf32, #tpu.memory_space<hbm>>)
        %dma_wait3A_729 = arith.constant 2 : i32
        %dma_wait3A_730 = arith.constant 0 : i32
        %dma_wait3A_731 = tpu.memref_slice %arg9[%add3A_678, %dma_wait3A_730] : memref<32x129xf32, #tpu.memory_space<vmem>> -> memref<8x128xf32, #tpu.memory_space<vmem>>
        %dma_wait3A_732 = arith.constant 0 : i32
        %dma_wait3A_733 = arith.constant 0 : i32
        %dma_wait3A_734 = tpu.memref_slice %arg5[%sub3A_666, %dma_wait3A_729, %add3A, %dma_wait3A_732, %dma_wait3A_733] : memref<200x8x32x8x128xf32, #tpu.memory_space<hbm>> -> memref<1x1x1x8x128xf32, #tpu.memory_space<hbm>>
        %dma_wait3A_735 = tpu.memref_squeeze %dma_wait3A_734 : memref<1x1x1x8x128xf32, #tpu.memory_space<hbm>> -> memref<8x128xf32, #tpu.memory_space<hbm>>
        %dma_wait3A_736 = tpu.memref_slice %arg15[%rem3A_456] : memref<2x!tpu.dma_semaphore, #tpu.memory_space<semaphore_mem>> -> memref<1x!tpu.dma_semaphore, #tpu.memory_space<semaphore_mem>>
        %dma_wait3A_737 = tpu.memref_squeeze %dma_wait3A_736 : memref<1x!tpu.dma_semaphore, #tpu.memory_space<semaphore_mem>> -> memref<!tpu.dma_semaphore, #tpu.memory_space<semaphore_mem>>
        %dma_wait3A_738 = arith.constant 0 : i32
        %dma_wait3A_739 = arith.constant 0 : i32
        %dma_wait3A_740 = tpu.memref_slice %arg5[%sub3A_666, %dma_wait3A_729, %add3A, %dma_wait3A_738, %dma_wait3A_739] : memref<200x8x32x8x128xf32, #tpu.memory_space<hbm>> -> memref<1x1x1x8x128xf32, #tpu.memory_space<hbm>>
        %dma_wait3A_741 = tpu.memref_squeeze %dma_wait3A_740 : memref<1x1x1x8x128xf32, #tpu.memory_space<hbm>> -> memref<8x128xf32, #tpu.memory_space<hbm>>
        %dma_wait3A_742 = arith.constant 0 : i32
        %dma_wait3A_743 = tpu.memref_slice %arg9[%add3A_678, %dma_wait3A_742] : memref<32x129xf32, #tpu.memory_space<vmem>> -> memref<8x128xf32, #tpu.memory_space<vmem>>
        tpu.wait_dma2 semaphore(%dma_wait3A_737 : memref<!tpu.dma_semaphore, #tpu.memory_space<semaphore_mem>>) src(%dma_wait3A_743 : memref<8x128xf32, #tpu.memory_space<vmem>>) dst(%dma_wait3A_741 : memref<8x128xf32, #tpu.memory_space<hbm>>)
        %dma_wait3A_744 = arith.constant 3 : i32
        %dma_wait3A_745 = arith.constant 0 : i32
        %dma_wait3A_746 = tpu.memref_slice %arg9[%add3A_682, %dma_wait3A_745] : memref<32x129xf32, #tpu.memory_space<vmem>> -> memref<8x128xf32, #tpu.memory_space<vmem>>
        %dma_wait3A_747 = arith.constant 0 : i32
        %dma_wait3A_748 = arith.constant 0 : i32
        %dma_wait3A_749 = tpu.memref_slice %arg5[%sub3A_666, %dma_wait3A_744, %add3A, %dma_wait3A_747, %dma_wait3A_748] : memref<200x8x32x8x128xf32, #tpu.memory_space<hbm>> -> memref<1x1x1x8x128xf32, #tpu.memory_space<hbm>>
        %dma_wait3A_750 = tpu.memref_squeeze %dma_wait3A_749 : memref<1x1x1x8x128xf32, #tpu.memory_space<hbm>> -> memref<8x128xf32, #tpu.memory_space<hbm>>
        %dma_wait3A_751 = tpu.memref_slice %arg15[%rem3A_456] : memref<2x!tpu.dma_semaphore, #tpu.memory_space<semaphore_mem>> -> memref<1x!tpu.dma_semaphore, #tpu.memory_space<semaphore_mem>>
        %dma_wait3A_752 = tpu.memref_squeeze %dma_wait3A_751 : memref<1x!tpu.dma_semaphore, #tpu.memory_space<semaphore_mem>> -> memref<!tpu.dma_semaphore, #tpu.memory_space<semaphore_mem>>
        %dma_wait3A_753 = arith.constant 0 : i32
        %dma_wait3A_754 = arith.constant 0 : i32
        %dma_wait3A_755 = tpu.memref_slice %arg5[%sub3A_666, %dma_wait3A_744, %add3A, %dma_wait3A_753, %dma_wait3A_754] : memref<200x8x32x8x128xf32, #tpu.memory_space<hbm>> -> memref<1x1x1x8x128xf32, #tpu.memory_space<hbm>>
        %dma_wait3A_756 = tpu.memref_squeeze %dma_wait3A_755 : memref<1x1x1x8x128xf32, #tpu.memory_space<hbm>> -> memref<8x128xf32, #tpu.memory_space<hbm>>
        %dma_wait3A_757 = arith.constant 0 : i32
        %dma_wait3A_758 = tpu.memref_slice %arg9[%add3A_682, %dma_wait3A_757] : memref<32x129xf32, #tpu.memory_space<vmem>> -> memref<8x128xf32, #tpu.memory_space<vmem>>
        tpu.wait_dma2 semaphore(%dma_wait3A_752 : memref<!tpu.dma_semaphore, #tpu.memory_space<semaphore_mem>>) src(%dma_wait3A_758 : memref<8x128xf32, #tpu.memory_space<vmem>>) dst(%dma_wait3A_756 : memref<8x128xf32, #tpu.memory_space<hbm>>)
        %dma_wait3A_759 = arith.constant 4 : i32
        %dma_wait3A_760 = arith.constant 0 : i32
        %dma_wait3A_761 = tpu.memref_slice %arg10[%add3A_686, %dma_wait3A_760] : memref<32x129xf32, #tpu.memory_space<vmem>> -> memref<8x128xf32, #tpu.memory_space<vmem>>
        %dma_wait3A_762 = arith.constant 0 : i32
        %dma_wait3A_763 = arith.constant 0 : i32
        %dma_wait3A_764 = tpu.memref_slice %arg5[%sub3A_666, %dma_wait3A_759, %add3A, %dma_wait3A_762, %dma_wait3A_763] : memref<200x8x32x8x128xf32, #tpu.memory_space<hbm>> -> memref<1x1x1x8x128xf32, #tpu.memory_space<hbm>>
        %dma_wait3A_765 = tpu.memref_squeeze %dma_wait3A_764 : memref<1x1x1x8x128xf32, #tpu.memory_space<hbm>> -> memref<8x128xf32, #tpu.memory_space<hbm>>
        %dma_wait3A_766 = tpu.memref_slice %arg15[%rem3A_456] : memref<2x!tpu.dma_semaphore, #tpu.memory_space<semaphore_mem>> -> memref<1x!tpu.dma_semaphore, #tpu.memory_space<semaphore_mem>>
        %dma_wait3A_767 = tpu.memref_squeeze %dma_wait3A_766 : memref<1x!tpu.dma_semaphore, #tpu.memory_space<semaphore_mem>> -> memref<!tpu.dma_semaphore, #tpu.memory_space<semaphore_mem>>
        %dma_wait3A_768 = arith.constant 0 : i32
        %dma_wait3A_769 = arith.constant 0 : i32
        %dma_wait3A_770 = tpu.memref_slice %arg5[%sub3A_666, %dma_wait3A_759, %add3A, %dma_wait3A_768, %dma_wait3A_769] : memref<200x8x32x8x128xf32, #tpu.memory_space<hbm>> -> memref<1x1x1x8x128xf32, #tpu.memory_space<hbm>>
        %dma_wait3A_771 = tpu.memref_squeeze %dma_wait3A_770 : memref<1x1x1x8x128xf32, #tpu.memory_space<hbm>> -> memref<8x128xf32, #tpu.memory_space<hbm>>
        %dma_wait3A_772 = arith.constant 0 : i32
        %dma_wait3A_773 = tpu.memref_slice %arg10[%add3A_686, %dma_wait3A_772] : memref<32x129xf32, #tpu.memory_space<vmem>> -> memref<8x128xf32, #tpu.memory_space<vmem>>
        tpu.wait_dma2 semaphore(%dma_wait3A_767 : memref<!tpu.dma_semaphore, #tpu.memory_space<semaphore_mem>>) src(%dma_wait3A_773 : memref<8x128xf32, #tpu.memory_space<vmem>>) dst(%dma_wait3A_771 : memref<8x128xf32, #tpu.memory_space<hbm>>)
        %dma_wait3A_774 = arith.constant 5 : i32
        %dma_wait3A_775 = arith.constant 0 : i32
        %dma_wait3A_776 = tpu.memref_slice %arg10[%add3A_690, %dma_wait3A_775] : memref<32x129xf32, #tpu.memory_space<vmem>> -> memref<8x128xf32, #tpu.memory_space<vmem>>
        %dma_wait3A_777 = arith.constant 0 : i32
        %dma_wait3A_778 = arith.constant 0 : i32
        %dma_wait3A_779 = tpu.memref_slice %arg5[%sub3A_666, %dma_wait3A_774, %add3A, %dma_wait3A_777, %dma_wait3A_778] : memref<200x8x32x8x128xf32, #tpu.memory_space<hbm>> -> memref<1x1x1x8x128xf32, #tpu.memory_space<hbm>>
        %dma_wait3A_780 = tpu.memref_squeeze %dma_wait3A_779 : memref<1x1x1x8x128xf32, #tpu.memory_space<hbm>> -> memref<8x128xf32, #tpu.memory_space<hbm>>
        %dma_wait3A_781 = tpu.memref_slice %arg15[%rem3A_456] : memref<2x!tpu.dma_semaphore, #tpu.memory_space<semaphore_mem>> -> memref<1x!tpu.dma_semaphore, #tpu.memory_space<semaphore_mem>>
        %dma_wait3A_782 = tpu.memref_squeeze %dma_wait3A_781 : memref<1x!tpu.dma_semaphore, #tpu.memory_space<semaphore_mem>> -> memref<!tpu.dma_semaphore, #tpu.memory_space<semaphore_mem>>
        %dma_wait3A_783 = arith.constant 0 : i32
        %dma_wait3A_784 = arith.constant 0 : i32
        %dma_wait3A_785 = tpu.memref_slice %arg5[%sub3A_666, %dma_wait3A_774, %add3A, %dma_wait3A_783, %dma_wait3A_784] : memref<200x8x32x8x128xf32, #tpu.memory_space<hbm>> -> memref<1x1x1x8x128xf32, #tpu.memory_space<hbm>>
        %dma_wait3A_786 = tpu.memref_squeeze %dma_wait3A_785 : memref<1x1x1x8x128xf32, #tpu.memory_space<hbm>> -> memref<8x128xf32, #tpu.memory_space<hbm>>
        %dma_wait3A_787 = arith.constant 0 : i32
        %dma_wait3A_788 = tpu.memref_slice %arg10[%add3A_690, %dma_wait3A_787] : memref<32x129xf32, #tpu.memory_space<vmem>> -> memref<8x128xf32, #tpu.memory_space<vmem>>
        tpu.wait_dma2 semaphore(%dma_wait3A_782 : memref<!tpu.dma_semaphore, #tpu.memory_space<semaphore_mem>>) src(%dma_wait3A_788 : memref<8x128xf32, #tpu.memory_space<vmem>>) dst(%dma_wait3A_786 : memref<8x128xf32, #tpu.memory_space<hbm>>)
        %dma_wait3A_789 = arith.constant 6 : i32
        %dma_wait3A_790 = arith.constant 0 : i32
        %dma_wait3A_791 = tpu.memref_slice %arg11[%add3A_694, %dma_wait3A_790] : memref<32x129xf32, #tpu.memory_space<vmem>> -> memref<8x128xf32, #tpu.memory_space<vmem>>
        %dma_wait3A_792 = arith.constant 0 : i32
        %dma_wait3A_793 = arith.constant 0 : i32
        %dma_wait3A_794 = tpu.memref_slice %arg5[%sub3A_666, %dma_wait3A_789, %add3A, %dma_wait3A_792, %dma_wait3A_793] : memref<200x8x32x8x128xf32, #tpu.memory_space<hbm>> -> memref<1x1x1x8x128xf32, #tpu.memory_space<hbm>>
        %dma_wait3A_795 = tpu.memref_squeeze %dma_wait3A_794 : memref<1x1x1x8x128xf32, #tpu.memory_space<hbm>> -> memref<8x128xf32, #tpu.memory_space<hbm>>
        %dma_wait3A_796 = tpu.memref_slice %arg15[%rem3A_456] : memref<2x!tpu.dma_semaphore, #tpu.memory_space<semaphore_mem>> -> memref<1x!tpu.dma_semaphore, #tpu.memory_space<semaphore_mem>>
        %dma_wait3A_797 = tpu.memref_squeeze %dma_wait3A_796 : memref<1x!tpu.dma_semaphore, #tpu.memory_space<semaphore_mem>> -> memref<!tpu.dma_semaphore, #tpu.memory_space<semaphore_mem>>
        %dma_wait3A_798 = arith.constant 0 : i32
        %dma_wait3A_799 = arith.constant 0 : i32
        %dma_wait3A_800 = tpu.memref_slice %arg5[%sub3A_666, %dma_wait3A_789, %add3A, %dma_wait3A_798, %dma_wait3A_799] : memref<200x8x32x8x128xf32, #tpu.memory_space<hbm>> -> memref<1x1x1x8x128xf32, #tpu.memory_space<hbm>>
        %dma_wait3A_801 = tpu.memref_squeeze %dma_wait3A_800 : memref<1x1x1x8x128xf32, #tpu.memory_space<hbm>> -> memref<8x128xf32, #tpu.memory_space<hbm>>
        %dma_wait3A_802 = arith.constant 0 : i32
        %dma_wait3A_803 = tpu.memref_slice %arg11[%add3A_694, %dma_wait3A_802] : memref<32x129xf32, #tpu.memory_space<vmem>> -> memref<8x128xf32, #tpu.memory_space<vmem>>
        tpu.wait_dma2 semaphore(%dma_wait3A_797 : memref<!tpu.dma_semaphore, #tpu.memory_space<semaphore_mem>>) src(%dma_wait3A_803 : memref<8x128xf32, #tpu.memory_space<vmem>>) dst(%dma_wait3A_801 : memref<8x128xf32, #tpu.memory_space<hbm>>)
        %dma_wait3A_804 = arith.constant 7 : i32
        %dma_wait3A_805 = arith.constant 0 : i32
        %dma_wait3A_806 = tpu.memref_slice %arg11[%add3A_698, %dma_wait3A_805] : memref<32x129xf32, #tpu.memory_space<vmem>> -> memref<8x128xf32, #tpu.memory_space<vmem>>
        %dma_wait3A_807 = arith.constant 0 : i32
        %dma_wait3A_808 = arith.constant 0 : i32
        %dma_wait3A_809 = tpu.memref_slice %arg5[%sub3A_666, %dma_wait3A_804, %add3A, %dma_wait3A_807, %dma_wait3A_808] : memref<200x8x32x8x128xf32, #tpu.memory_space<hbm>> -> memref<1x1x1x8x128xf32, #tpu.memory_space<hbm>>
        %dma_wait3A_810 = tpu.memref_squeeze %dma_wait3A_809 : memref<1x1x1x8x128xf32, #tpu.memory_space<hbm>> -> memref<8x128xf32, #tpu.memory_space<hbm>>
        %dma_wait3A_811 = tpu.memref_slice %arg15[%rem3A_456] : memref<2x!tpu.dma_semaphore, #tpu.memory_space<semaphore_mem>> -> memref<1x!tpu.dma_semaphore, #tpu.memory_space<semaphore_mem>>
        %dma_wait3A_812 = tpu.memref_squeeze %dma_wait3A_811 : memref<1x!tpu.dma_semaphore, #tpu.memory_space<semaphore_mem>> -> memref<!tpu.dma_semaphore, #tpu.memory_space<semaphore_mem>>
        %dma_wait3A_813 = arith.constant 0 : i32
        %dma_wait3A_814 = arith.constant 0 : i32
        %dma_wait3A_815 = tpu.memref_slice %arg5[%sub3A_666, %dma_wait3A_804, %add3A, %dma_wait3A_813, %dma_wait3A_814] : memref<200x8x32x8x128xf32, #tpu.memory_space<hbm>> -> memref<1x1x1x8x128xf32, #tpu.memory_space<hbm>>
        %dma_wait3A_816 = tpu.memref_squeeze %dma_wait3A_815 : memref<1x1x1x8x128xf32, #tpu.memory_space<hbm>> -> memref<8x128xf32, #tpu.memory_space<hbm>>
        %dma_wait3A_817 = arith.constant 0 : i32
        %dma_wait3A_818 = tpu.memref_slice %arg11[%add3A_698, %dma_wait3A_817] : memref<32x129xf32, #tpu.memory_space<vmem>> -> memref<8x128xf32, #tpu.memory_space<vmem>>
        tpu.wait_dma2 semaphore(%dma_wait3A_812 : memref<!tpu.dma_semaphore, #tpu.memory_space<semaphore_mem>>) src(%dma_wait3A_818 : memref<8x128xf32, #tpu.memory_space<vmem>>) dst(%dma_wait3A_816 : memref<8x128xf32, #tpu.memory_space<hbm>>)
      } else {
      }
      %get3A = arith.index_cast %scan3A_448 : i32 to index
      %get3A_495 = arith.constant 0 : index
      %get3A_496 = tpu.vector_load %arg12[%get3A, %get3A_495] {strides = array<i32>} : memref<200x64xf32, #tpu.memory_space<vmem>>, vector<16xf32>,
      %get3A_497 = arith.index_cast %scan3A_448 : i32 to index
      %get3A_498 = arith.constant 16 : index
      %get3A_499 = tpu.vector_load %arg12[%get3A_497, %get3A_498] {strides = array<i32>} : memref<200x64xf32, #tpu.memory_space<vmem>>, vector<16xf32>,
      %get3A_500 = arith.index_cast %scan3A_448 : i32 to index
      %get3A_501 = arith.constant 32 : index
      %get3A_502 = tpu.vector_load %arg12[%get3A_500, %get3A_501] {strides = array<i32>} : memref<200x64xf32, #tpu.memory_space<vmem>>, vector<16xf32>,
      %get3A_503 = arith.index_cast %scan3A_448 : i32 to index
      %get3A_504 = arith.constant 48 : index
      %get3A_505 = tpu.vector_load %arg12[%get3A_503, %get3A_504] {strides = array<i32>} : memref<200x64xf32, #tpu.memory_space<vmem>>, vector<16xf32>,
      %mul3A_506 = arith.constant 16 : i32
      %mul3A_507 = arith.muli %rem3A_456, %mul3A_506 : i32
      %add3A_508 = vector.broadcast %mul3A_507 : i32 to vector<16xi32>
      %add3A_509 = arith.addi %iota3A, %add3A_508 : vector<16xi32>
      %parallel_loop3A = arith.constant 0 : i32
      %parallel_loop3A_510 = arith.constant 128 : i32
      %parallel_loop3A_511 = arith.constant 1 : i32
      %parallel_loop3A_512 = scf.for %parallel_loop3A_665 = %parallel_loop3A to %parallel_loop3A_510 step %parallel_loop3A_511 iter_args(%parallel_loop3A_666 = %mul3A_116) -> (vector<16xi32>)  : i32 {
        %parallel_loop3A_667 = arith.constant 0 : i32
        %parallel_loop3A_668 = arith.constant 0 : i32
        %parallel_loop3A_669 = tpu.memref_slice %arg7[%rem3A_454, %parallel_loop3A_667, %parallel_loop3A_668] : memref<6x128x64xf32, #tpu.memory_space<vmem>> -> memref<1x128x64xf32, #tpu.memory_space<vmem>>
        %parallel_loop3A_670 = tpu.memref_squeeze %parallel_loop3A_669 : memref<1x128x64xf32, #tpu.memory_space<vmem>> -> memref<128x64xf32, #tpu.memory_space<vmem>>
        %parallel_loop3A_671 = arith.index_cast %parallel_loop3A_665 : i32 to index
        %parallel_loop3A_672 = arith.constant 0 : index
        %parallel_loop3A_673 = tpu.vector_load %parallel_loop3A_670[%parallel_loop3A_671, %parallel_loop3A_672] {strides = array<i32>} : memref<128x64xf32, #tpu.memory_space<vmem>>, vector<16xf32>,
        %parallel_loop3A_674 = arith.addf %parallel_loop3A_673, %get3A_496 : vector<16xf32>
        tpu.vector_store_idx %arg8[%add3A_509, %parallel_loop3A_666], %parallel_loop3A_674 : memref<32x129xf32, #tpu.memory_space<vmem>>[vector<16xi32>, vector<16xi32>], vector<16xf32>,
        %parallel_loop3A_675 = arith.constant 0 : i32
        %parallel_loop3A_676 = arith.constant 0 : i32
        %parallel_loop3A_677 = tpu.memref_slice %arg7[%rem3A_454, %parallel_loop3A_675, %parallel_loop3A_676] : memref<6x128x64xf32, #tpu.memory_space<vmem>> -> memref<1x128x64xf32, #tpu.memory_space<vmem>>
        %parallel_loop3A_678 = tpu.memref_squeeze %parallel_loop3A_677 : memref<1x128x64xf32, #tpu.memory_space<vmem>> -> memref<128x64xf32, #tpu.memory_space<vmem>>
        %parallel_loop3A_679 = arith.index_cast %parallel_loop3A_665 : i32 to index
        %parallel_loop3A_680 = arith.constant 16 : index
        %parallel_loop3A_681 = tpu.vector_load %parallel_loop3A_678[%parallel_loop3A_679, %parallel_loop3A_680] {strides = array<i32>} : memref<128x64xf32, #tpu.memory_space<vmem>>, vector<16xf32>,
        %parallel_loop3A_682 = arith.addf %parallel_loop3A_681, %get3A_499 : vector<16xf32>
        tpu.vector_store_idx %arg9[%add3A_509, %parallel_loop3A_666], %parallel_loop3A_682 : memref<32x129xf32, #tpu.memory_space<vmem>>[vector<16xi32>, vector<16xi32>], vector<16xf32>,
        %parallel_loop3A_683 = arith.constant 0 : i32
        %parallel_loop3A_684 = arith.constant 0 : i32
        %parallel_loop3A_685 = tpu.memref_slice %arg7[%rem3A_454, %parallel_loop3A_683, %parallel_loop3A_684] : memref<6x128x64xf32, #tpu.memory_space<vmem>> -> memref<1x128x64xf32, #tpu.memory_space<vmem>>
        %parallel_loop3A_686 = tpu.memref_squeeze %parallel_loop3A_685 : memref<1x128x64xf32, #tpu.memory_space<vmem>> -> memref<128x64xf32, #tpu.memory_space<vmem>>
        %parallel_loop3A_687 = arith.index_cast %parallel_loop3A_665 : i32 to index
        %parallel_loop3A_688 = arith.constant 32 : index
        %parallel_loop3A_689 = tpu.vector_load %parallel_loop3A_686[%parallel_loop3A_687, %parallel_loop3A_688] {strides = array<i32>} : memref<128x64xf32, #tpu.memory_space<vmem>>, vector<16xf32>,
        %parallel_loop3A_690 = arith.addf %parallel_loop3A_689, %get3A_502 : vector<16xf32>
        tpu.vector_store_idx %arg10[%add3A_509, %parallel_loop3A_666], %parallel_loop3A_690 : memref<32x129xf32, #tpu.memory_space<vmem>>[vector<16xi32>, vector<16xi32>], vector<16xf32>,
        %parallel_loop3A_691 = arith.constant 0 : i32
        %parallel_loop3A_692 = arith.constant 0 : i32
        %parallel_loop3A_693 = tpu.memref_slice %arg7[%rem3A_454, %parallel_loop3A_691, %parallel_loop3A_692] : memref<6x128x64xf32, #tpu.memory_space<vmem>> -> memref<1x128x64xf32, #tpu.memory_space<vmem>>
        %parallel_loop3A_694 = tpu.memref_squeeze %parallel_loop3A_693 : memref<1x128x64xf32, #tpu.memory_space<vmem>> -> memref<128x64xf32, #tpu.memory_space<vmem>>
        %parallel_loop3A_695 = arith.index_cast %parallel_loop3A_665 : i32 to index
        %parallel_loop3A_696 = arith.constant 48 : index
        %parallel_loop3A_697 = tpu.vector_load %parallel_loop3A_694[%parallel_loop3A_695, %parallel_loop3A_696] {strides = array<i32>} : memref<128x64xf32, #tpu.memory_space<vmem>>, vector<16xf32>,
        %parallel_loop3A_698 = arith.addf %parallel_loop3A_697, %get3A_505 : vector<16xf32>
        tpu.vector_store_idx %arg11[%add3A_509, %parallel_loop3A_666], %parallel_loop3A_698 : memref<32x129xf32, #tpu.memory_space<vmem>>[vector<16xi32>, vector<16xi32>], vector<16xf32>,
        %parallel_loop3A_699 = arith.constant 1 : i32
        %parallel_loop3A_700 = vector.broadcast %parallel_loop3A_699 : i32 to vector<16xi32>
        %parallel_loop3A_701 = arith.addi %parallel_loop3A_666, %parallel_loop3A_700 : vector<16xi32>
        scf.yield %parallel_loop3A_701 : vector<16xi32>
      } {sc.loop_unroll_factor = 8 : i64, sc.parallel_access}
      %mul3A_513 = arith.constant 16 : i32
      %mul3A_514 = arith.muli %rem3A_456, %mul3A_513 : i32
      %add3A_515 = arith.constant 0 : i32
      %add3A_516 = arith.addi %mul3A_514, %add3A_515 : i32
      %mul3A_517 = arith.constant 16 : i32
      %mul3A_518 = arith.muli %rem3A_456, %mul3A_517 : i32
      %add3A_519 = arith.constant 8 : i32
      %add3A_520 = arith.addi %mul3A_518, %add3A_519 : i32
      %mul3A_521 = arith.constant 16 : i32
      %mul3A_522 = arith.muli %rem3A_456, %mul3A_521 : i32
      %add3A_523 = arith.constant 0 : i32
      %add3A_524 = arith.addi %mul3A_522, %add3A_523 : i32
      %mul3A_525 = arith.constant 16 : i32
      %mul3A_526 = arith.muli %rem3A_456, %mul3A_525 : i32
      %add3A_527 = arith.constant 8 : i32
      %add3A_528 = arith.addi %mul3A_526, %add3A_527 : i32
      %mul3A_529 = arith.constant 16 : i32
      %mul3A_530 = arith.muli %rem3A_456, %mul3A_529 : i32
      %add3A_531 = arith.constant 0 : i32
      %add3A_532 = arith.addi %mul3A_530, %add3A_531 : i32
      %mul3A_533 = arith.constant 16 : i32
      %mul3A_534 = arith.muli %rem3A_456, %mul3A_533 : i32
      %add3A_535 = arith.constant 8 : i32
      %add3A_536 = arith.addi %mul3A_534, %add3A_535 : i32
      %mul3A_537 = arith.constant 16 : i32
      %mul3A_538 = arith.muli %rem3A_456, %mul3A_537 : i32
      %add3A_539 = arith.constant 0 : i32
      %add3A_540 = arith.addi %mul3A_538, %add3A_539 : i32
      %mul3A_541 = arith.constant 16 : i32
      %mul3A_542 = arith.muli %rem3A_456, %mul3A_541 : i32
      %add3A_543 = arith.constant 8 : i32
      %add3A_544 = arith.addi %mul3A_542, %add3A_543 : i32
      %dma_start3A_545 = arith.constant 0 : i32
      %dma_start3A_546 = arith.constant 0 : i32
      %dma_start3A_547 = tpu.memref_slice %arg8[%add3A_516, %dma_start3A_546] : memref<32x129xf32, #tpu.memory_space<vmem>> -> memref<8x128xf32, #tpu.memory_space<vmem>>
      %dma_start3A_548 = arith.constant 0 : i32
      %dma_start3A_549 = arith.constant 0 : i32
      %dma_start3A_550 = tpu.memref_slice %arg5[%scan3A_448, %dma_start3A_545, %add3A, %dma_start3A_548, %dma_start3A_549] : memref<200x8x32x8x128xf32, #tpu.memory_space<hbm>> -> memref<1x1x1x8x128xf32, #tpu.memory_space<hbm>>
      %dma_start3A_551 = tpu.memref_squeeze %dma_start3A_550 : memref<1x1x1x8x128xf32, #tpu.memory_space<hbm>> -> memref<8x128xf32, #tpu.memory_space<hbm>>
      %dma_start3A_552 = tpu.memref_slice %arg15[%rem3A_456] : memref<2x!tpu.dma_semaphore, #tpu.memory_space<semaphore_mem>> -> memref<1x!tpu.dma_semaphore, #tpu.memory_space<semaphore_mem>>
      %dma_start3A_553 = tpu.memref_squeeze %dma_start3A_552 : memref<1x!tpu.dma_semaphore, #tpu.memory_space<semaphore_mem>> -> memref<!tpu.dma_semaphore, #tpu.memory_space<semaphore_mem>>
      %dma_start3A_554 = arith.constant 0 : i32
      %dma_start3A_555 = arith.constant 0 : i32
      %dma_start3A_556 = tpu.memref_slice %arg5[%scan3A_448, %dma_start3A_545, %add3A, %dma_start3A_554, %dma_start3A_555] : memref<200x8x32x8x128xf32, #tpu.memory_space<hbm>> -> memref<1x1x1x8x128xf32, #tpu.memory_space<hbm>>
      %dma_start3A_557 = tpu.memref_squeeze %dma_start3A_556 : memref<1x1x1x8x128xf32, #tpu.memory_space<hbm>> -> memref<8x128xf32, #tpu.memory_space<hbm>>
      %dma_start3A_558 = arith.constant 0 : i32
      %dma_start3A_559 = tpu.memref_slice %arg8[%add3A_516, %dma_start3A_558] : memref<32x129xf32, #tpu.memory_space<vmem>> -> memref<8x128xf32, #tpu.memory_space<vmem>>
      tpu.enqueue_dma source(%dma_start3A_559 : memref<8x128xf32, #tpu.memory_space<vmem>>) target(%dma_start3A_557 : memref<8x128xf32, #tpu.memory_space<hbm>>) target_semaphore(%dma_start3A_553 : memref<!tpu.dma_semaphore, #tpu.memory_space<semaphore_mem>>)
      %dma_start3A_560 = arith.constant 1 : i32
      %dma_start3A_561 = arith.constant 0 : i32
      %dma_start3A_562 = tpu.memref_slice %arg8[%add3A_520, %dma_start3A_561] : memref<32x129xf32, #tpu.memory_space<vmem>> -> memref<8x128xf32, #tpu.memory_space<vmem>>
      %dma_start3A_563 = arith.constant 0 : i32
      %dma_start3A_564 = arith.constant 0 : i32
      %dma_start3A_565 = tpu.memref_slice %arg5[%scan3A_448, %dma_start3A_560, %add3A, %dma_start3A_563, %dma_start3A_564] : memref<200x8x32x8x128xf32, #tpu.memory_space<hbm>> -> memref<1x1x1x8x128xf32, #tpu.memory_space<hbm>>
      %dma_start3A_566 = tpu.memref_squeeze %dma_start3A_565 : memref<1x1x1x8x128xf32, #tpu.memory_space<hbm>> -> memref<8x128xf32, #tpu.memory_space<hbm>>
      %dma_start3A_567 = tpu.memref_slice %arg15[%rem3A_456] : memref<2x!tpu.dma_semaphore, #tpu.memory_space<semaphore_mem>> -> memref<1x!tpu.dma_semaphore, #tpu.memory_space<semaphore_mem>>
      %dma_start3A_568 = tpu.memref_squeeze %dma_start3A_567 : memref<1x!tpu.dma_semaphore, #tpu.memory_space<semaphore_mem>> -> memref<!tpu.dma_semaphore, #tpu.memory_space<semaphore_mem>>
      %dma_start3A_569 = arith.constant 0 : i32
      %dma_start3A_570 = arith.constant 0 : i32
      %dma_start3A_571 = tpu.memref_slice %arg5[%scan3A_448, %dma_start3A_560, %add3A, %dma_start3A_569, %dma_start3A_570] : memref<200x8x32x8x128xf32, #tpu.memory_space<hbm>> -> memref<1x1x1x8x128xf32, #tpu.memory_space<hbm>>
      %dma_start3A_572 = tpu.memref_squeeze %dma_start3A_571 : memref<1x1x1x8x128xf32, #tpu.memory_space<hbm>> -> memref<8x128xf32, #tpu.memory_space<hbm>>
      %dma_start3A_573 = arith.constant 0 : i32
      %dma_start3A_574 = tpu.memref_slice %arg8[%add3A_520, %dma_start3A_573] : memref<32x129xf32, #tpu.memory_space<vmem>> -> memref<8x128xf32, #tpu.memory_space<vmem>>
      tpu.enqueue_dma source(%dma_start3A_574 : memref<8x128xf32, #tpu.memory_space<vmem>>) target(%dma_start3A_572 : memref<8x128xf32, #tpu.memory_space<hbm>>) target_semaphore(%dma_start3A_568 : memref<!tpu.dma_semaphore, #tpu.memory_space<semaphore_mem>>)
      %dma_start3A_575 = arith.constant 2 : i32
      %dma_start3A_576 = arith.constant 0 : i32
      %dma_start3A_577 = tpu.memref_slice %arg9[%add3A_524, %dma_start3A_576] : memref<32x129xf32, #tpu.memory_space<vmem>> -> memref<8x128xf32, #tpu.memory_space<vmem>>
      %dma_start3A_578 = arith.constant 0 : i32
      %dma_start3A_579 = arith.constant 0 : i32
      %dma_start3A_580 = tpu.memref_slice %arg5[%scan3A_448, %dma_start3A_575, %add3A, %dma_start3A_578, %dma_start3A_579] : memref<200x8x32x8x128xf32, #tpu.memory_space<hbm>> -> memref<1x1x1x8x128xf32, #tpu.memory_space<hbm>>
      %dma_start3A_581 = tpu.memref_squeeze %dma_start3A_580 : memref<1x1x1x8x128xf32, #tpu.memory_space<hbm>> -> memref<8x128xf32, #tpu.memory_space<hbm>>
      %dma_start3A_582 = tpu.memref_slice %arg15[%rem3A_456] : memref<2x!tpu.dma_semaphore, #tpu.memory_space<semaphore_mem>> -> memref<1x!tpu.dma_semaphore, #tpu.memory_space<semaphore_mem>>
      %dma_start3A_583 = tpu.memref_squeeze %dma_start3A_582 : memref<1x!tpu.dma_semaphore, #tpu.memory_space<semaphore_mem>> -> memref<!tpu.dma_semaphore, #tpu.memory_space<semaphore_mem>>
      %dma_start3A_584 = arith.constant 0 : i32
      %dma_start3A_585 = arith.constant 0 : i32
      %dma_start3A_586 = tpu.memref_slice %arg5[%scan3A_448, %dma_start3A_575, %add3A, %dma_start3A_584, %dma_start3A_585] : memref<200x8x32x8x128xf32, #tpu.memory_space<hbm>> -> memref<1x1x1x8x128xf32, #tpu.memory_space<hbm>>
      %dma_start3A_587 = tpu.memref_squeeze %dma_start3A_586 : memref<1x1x1x8x128xf32, #tpu.memory_space<hbm>> -> memref<8x128xf32, #tpu.memory_space<hbm>>
      %dma_start3A_588 = arith.constant 0 : i32
      %dma_start3A_589 = tpu.memref_slice %arg9[%add3A_524, %dma_start3A_588] : memref<32x129xf32, #tpu.memory_space<vmem>> -> memref<8x128xf32, #tpu.memory_space<vmem>>
      tpu.enqueue_dma source(%dma_start3A_589 : memref<8x128xf32, #tpu.memory_space<vmem>>) target(%dma_start3A_587 : memref<8x128xf32, #tpu.memory_space<hbm>>) target_semaphore(%dma_start3A_583 : memref<!tpu.dma_semaphore, #tpu.memory_space<semaphore_mem>>)
      %dma_start3A_590 = arith.constant 3 : i32
      %dma_start3A_591 = arith.constant 0 : i32
      %dma_start3A_592 = tpu.memref_slice %arg9[%add3A_528, %dma_start3A_591] : memref<32x129xf32, #tpu.memory_space<vmem>> -> memref<8x128xf32, #tpu.memory_space<vmem>>
      %dma_start3A_593 = arith.constant 0 : i32
      %dma_start3A_594 = arith.constant 0 : i32
      %dma_start3A_595 = tpu.memref_slice %arg5[%scan3A_448, %dma_start3A_590, %add3A, %dma_start3A_593, %dma_start3A_594] : memref<200x8x32x8x128xf32, #tpu.memory_space<hbm>> -> memref<1x1x1x8x128xf32, #tpu.memory_space<hbm>>
      %dma_start3A_596 = tpu.memref_squeeze %dma_start3A_595 : memref<1x1x1x8x128xf32, #tpu.memory_space<hbm>> -> memref<8x128xf32, #tpu.memory_space<hbm>>
      %dma_start3A_597 = tpu.memref_slice %arg15[%rem3A_456] : memref<2x!tpu.dma_semaphore, #tpu.memory_space<semaphore_mem>> -> memref<1x!tpu.dma_semaphore, #tpu.memory_space<semaphore_mem>>
      %dma_start3A_598 = tpu.memref_squeeze %dma_start3A_597 : memref<1x!tpu.dma_semaphore, #tpu.memory_space<semaphore_mem>> -> memref<!tpu.dma_semaphore, #tpu.memory_space<semaphore_mem>>
      %dma_start3A_599 = arith.constant 0 : i32
      %dma_start3A_600 = arith.constant 0 : i32
      %dma_start3A_601 = tpu.memref_slice %arg5[%scan3A_448, %dma_start3A_590, %add3A, %dma_start3A_599, %dma_start3A_600] : memref<200x8x32x8x128xf32, #tpu.memory_space<hbm>> -> memref<1x1x1x8x128xf32, #tpu.memory_space<hbm>>
      %dma_start3A_602 = tpu.memref_squeeze %dma_start3A_601 : memref<1x1x1x8x128xf32, #tpu.memory_space<hbm>> -> memref<8x128xf32, #tpu.memory_space<hbm>>
      %dma_start3A_603 = arith.constant 0 : i32
      %dma_start3A_604 = tpu.memref_slice %arg9[%add3A_528, %dma_start3A_603] : memref<32x129xf32, #tpu.memory_space<vmem>> -> memref<8x128xf32, #tpu.memory_space<vmem>>
      tpu.enqueue_dma source(%dma_start3A_604 : memref<8x128xf32, #tpu.memory_space<vmem>>) target(%dma_start3A_602 : memref<8x128xf32, #tpu.memory_space<hbm>>) target_semaphore(%dma_start3A_598 : memref<!tpu.dma_semaphore, #tpu.memory_space<semaphore_mem>>)
      %dma_start3A_605 = arith.constant 4 : i32
      %dma_start3A_606 = arith.constant 0 : i32
      %dma_start3A_607 = tpu.memref_slice %arg10[%add3A_532, %dma_start3A_606] : memref<32x129xf32, #tpu.memory_space<vmem>> -> memref<8x128xf32, #tpu.memory_space<vmem>>
      %dma_start3A_608 = arith.constant 0 : i32
      %dma_start3A_609 = arith.constant 0 : i32
      %dma_start3A_610 = tpu.memref_slice %arg5[%scan3A_448, %dma_start3A_605, %add3A, %dma_start3A_608, %dma_start3A_609] : memref<200x8x32x8x128xf32, #tpu.memory_space<hbm>> -> memref<1x1x1x8x128xf32, #tpu.memory_space<hbm>>
      %dma_start3A_611 = tpu.memref_squeeze %dma_start3A_610 : memref<1x1x1x8x128xf32, #tpu.memory_space<hbm>> -> memref<8x128xf32, #tpu.memory_space<hbm>>
      %dma_start3A_612 = tpu.memref_slice %arg15[%rem3A_456] : memref<2x!tpu.dma_semaphore, #tpu.memory_space<semaphore_mem>> -> memref<1x!tpu.dma_semaphore, #tpu.memory_space<semaphore_mem>>
      %dma_start3A_613 = tpu.memref_squeeze %dma_start3A_612 : memref<1x!tpu.dma_semaphore, #tpu.memory_space<semaphore_mem>> -> memref<!tpu.dma_semaphore, #tpu.memory_space<semaphore_mem>>
      %dma_start3A_614 = arith.constant 0 : i32
      %dma_start3A_615 = arith.constant 0 : i32
      %dma_start3A_616 = tpu.memref_slice %arg5[%scan3A_448, %dma_start3A_605, %add3A, %dma_start3A_614, %dma_start3A_615] : memref<200x8x32x8x128xf32, #tpu.memory_space<hbm>> -> memref<1x1x1x8x128xf32, #tpu.memory_space<hbm>>
      %dma_start3A_617 = tpu.memref_squeeze %dma_start3A_616 : memref<1x1x1x8x128xf32, #tpu.memory_space<hbm>> -> memref<8x128xf32, #tpu.memory_space<hbm>>
      %dma_start3A_618 = arith.constant 0 : i32
      %dma_start3A_619 = tpu.memref_slice %arg10[%add3A_532, %dma_start3A_618] : memref<32x129xf32, #tpu.memory_space<vmem>> -> memref<8x128xf32, #tpu.memory_space<vmem>>
      tpu.enqueue_dma source(%dma_start3A_619 : memref<8x128xf32, #tpu.memory_space<vmem>>) target(%dma_start3A_617 : memref<8x128xf32, #tpu.memory_space<hbm>>) target_semaphore(%dma_start3A_613 : memref<!tpu.dma_semaphore, #tpu.memory_space<semaphore_mem>>)
      %dma_start3A_620 = arith.constant 5 : i32
      %dma_start3A_621 = arith.constant 0 : i32
      %dma_start3A_622 = tpu.memref_slice %arg10[%add3A_536, %dma_start3A_621] : memref<32x129xf32, #tpu.memory_space<vmem>> -> memref<8x128xf32, #tpu.memory_space<vmem>>
      %dma_start3A_623 = arith.constant 0 : i32
      %dma_start3A_624 = arith.constant 0 : i32
      %dma_start3A_625 = tpu.memref_slice %arg5[%scan3A_448, %dma_start3A_620, %add3A, %dma_start3A_623, %dma_start3A_624] : memref<200x8x32x8x128xf32, #tpu.memory_space<hbm>> -> memref<1x1x1x8x128xf32, #tpu.memory_space<hbm>>
      %dma_start3A_626 = tpu.memref_squeeze %dma_start3A_625 : memref<1x1x1x8x128xf32, #tpu.memory_space<hbm>> -> memref<8x128xf32, #tpu.memory_space<hbm>>
      %dma_start3A_627 = tpu.memref_slice %arg15[%rem3A_456] : memref<2x!tpu.dma_semaphore, #tpu.memory_space<semaphore_mem>> -> memref<1x!tpu.dma_semaphore, #tpu.memory_space<semaphore_mem>>
      %dma_start3A_628 = tpu.memref_squeeze %dma_start3A_627 : memref<1x!tpu.dma_semaphore, #tpu.memory_space<semaphore_mem>> -> memref<!tpu.dma_semaphore, #tpu.memory_space<semaphore_mem>>
      %dma_start3A_629 = arith.constant 0 : i32
      %dma_start3A_630 = arith.constant 0 : i32
      %dma_start3A_631 = tpu.memref_slice %arg5[%scan3A_448, %dma_start3A_620, %add3A, %dma_start3A_629, %dma_start3A_630] : memref<200x8x32x8x128xf32, #tpu.memory_space<hbm>> -> memref<1x1x1x8x128xf32, #tpu.memory_space<hbm>>
      %dma_start3A_632 = tpu.memref_squeeze %dma_start3A_631 : memref<1x1x1x8x128xf32, #tpu.memory_space<hbm>> -> memref<8x128xf32, #tpu.memory_space<hbm>>
      %dma_start3A_633 = arith.constant 0 : i32
      %dma_start3A_634 = tpu.memref_slice %arg10[%add3A_536, %dma_start3A_633] : memref<32x129xf32, #tpu.memory_space<vmem>> -> memref<8x128xf32, #tpu.memory_space<vmem>>
      tpu.enqueue_dma source(%dma_start3A_634 : memref<8x128xf32, #tpu.memory_space<vmem>>) target(%dma_start3A_632 : memref<8x128xf32, #tpu.memory_space<hbm>>) target_semaphore(%dma_start3A_628 : memref<!tpu.dma_semaphore, #tpu.memory_space<semaphore_mem>>)
      %dma_start3A_635 = arith.constant 6 : i32
      %dma_start3A_636 = arith.constant 0 : i32
      %dma_start3A_637 = tpu.memref_slice %arg11[%add3A_540, %dma_start3A_636] : memref<32x129xf32, #tpu.memory_space<vmem>> -> memref<8x128xf32, #tpu.memory_space<vmem>>
      %dma_start3A_638 = arith.constant 0 : i32
      %dma_start3A_639 = arith.constant 0 : i32
      %dma_start3A_640 = tpu.memref_slice %arg5[%scan3A_448, %dma_start3A_635, %add3A, %dma_start3A_638, %dma_start3A_639] : memref<200x8x32x8x128xf32, #tpu.memory_space<hbm>> -> memref<1x1x1x8x128xf32, #tpu.memory_space<hbm>>
      %dma_start3A_641 = tpu.memref_squeeze %dma_start3A_640 : memref<1x1x1x8x128xf32, #tpu.memory_space<hbm>> -> memref<8x128xf32, #tpu.memory_space<hbm>>
      %dma_start3A_642 = tpu.memref_slice %arg15[%rem3A_456] : memref<2x!tpu.dma_semaphore, #tpu.memory_space<semaphore_mem>> -> memref<1x!tpu.dma_semaphore, #tpu.memory_space<semaphore_mem>>
      %dma_start3A_643 = tpu.memref_squeeze %dma_start3A_642 : memref<1x!tpu.dma_semaphore, #tpu.memory_space<semaphore_mem>> -> memref<!tpu.dma_semaphore, #tpu.memory_space<semaphore_mem>>
      %dma_start3A_644 = arith.constant 0 : i32
      %dma_start3A_645 = arith.constant 0 : i32
      %dma_start3A_646 = tpu.memref_slice %arg5[%scan3A_448, %dma_start3A_635, %add3A, %dma_start3A_644, %dma_start3A_645] : memref<200x8x32x8x128xf32, #tpu.memory_space<hbm>> -> memref<1x1x1x8x128xf32, #tpu.memory_space<hbm>>
      %dma_start3A_647 = tpu.memref_squeeze %dma_start3A_646 : memref<1x1x1x8x128xf32, #tpu.memory_space<hbm>> -> memref<8x128xf32, #tpu.memory_space<hbm>>
      %dma_start3A_648 = arith.constant 0 : i32
      %dma_start3A_649 = tpu.memref_slice %arg11[%add3A_540, %dma_start3A_648] : memref<32x129xf32, #tpu.memory_space<vmem>> -> memref<8x128xf32, #tpu.memory_space<vmem>>
      tpu.enqueue_dma source(%dma_start3A_649 : memref<8x128xf32, #tpu.memory_space<vmem>>) target(%dma_start3A_647 : memref<8x128xf32, #tpu.memory_space<hbm>>) target_semaphore(%dma_start3A_643 : memref<!tpu.dma_semaphore, #tpu.memory_space<semaphore_mem>>)
      %dma_start3A_650 = arith.constant 7 : i32
      %dma_start3A_651 = arith.constant 0 : i32
      %dma_start3A_652 = tpu.memref_slice %arg11[%add3A_544, %dma_start3A_651] : memref<32x129xf32, #tpu.memory_space<vmem>> -> memref<8x128xf32, #tpu.memory_space<vmem>>
      %dma_start3A_653 = arith.constant 0 : i32
      %dma_start3A_654 = arith.constant 0 : i32
      %dma_start3A_655 = tpu.memref_slice %arg5[%scan3A_448, %dma_start3A_650, %add3A, %dma_start3A_653, %dma_start3A_654] : memref<200x8x32x8x128xf32, #tpu.memory_space<hbm>> -> memref<1x1x1x8x128xf32, #tpu.memory_space<hbm>>
      %dma_start3A_656 = tpu.memref_squeeze %dma_start3A_655 : memref<1x1x1x8x128xf32, #tpu.memory_space<hbm>> -> memref<8x128xf32, #tpu.memory_space<hbm>>
      %dma_start3A_657 = tpu.memref_slice %arg15[%rem3A_456] : memref<2x!tpu.dma_semaphore, #tpu.memory_space<semaphore_mem>> -> memref<1x!tpu.dma_semaphore, #tpu.memory_space<semaphore_mem>>
      %dma_start3A_658 = tpu.memref_squeeze %dma_start3A_657 : memref<1x!tpu.dma_semaphore, #tpu.memory_space<semaphore_mem>> -> memref<!tpu.dma_semaphore, #tpu.memory_space<semaphore_mem>>
      %dma_start3A_659 = arith.constant 0 : i32
      %dma_start3A_660 = arith.constant 0 : i32
      %dma_start3A_661 = tpu.memref_slice %arg5[%scan3A_448, %dma_start3A_650, %add3A, %dma_start3A_659, %dma_start3A_660] : memref<200x8x32x8x128xf32, #tpu.memory_space<hbm>> -> memref<1x1x1x8x128xf32, #tpu.memory_space<hbm>>
      %dma_start3A_662 = tpu.memref_squeeze %dma_start3A_661 : memref<1x1x1x8x128xf32, #tpu.memory_space<hbm>> -> memref<8x128xf32, #tpu.memory_space<hbm>>
      %dma_start3A_663 = arith.constant 0 : i32
      %dma_start3A_664 = tpu.memref_slice %arg11[%add3A_544, %dma_start3A_663] : memref<32x129xf32, #tpu.memory_space<vmem>> -> memref<8x128xf32, #tpu.memory_space<vmem>>
      tpu.enqueue_dma source(%dma_start3A_664 : memref<8x128xf32, #tpu.memory_space<vmem>>) target(%dma_start3A_662 : memref<8x128xf32, #tpu.memory_space<hbm>>) target_semaphore(%dma_start3A_658 : memref<!tpu.dma_semaphore, #tpu.memory_space<semaphore_mem>>)
    }
    %scan3A_121 = arith.constant 200 : i32
    %rem3A_122 = arith.constant 198 : i32
    %rem3A_123 = arith.constant 2 : i32
    %rem3A_124 = arith.remsi %rem3A_122, %rem3A_123 : i32
    %mul3A_125 = arith.constant 16 : i32
    %mul3A_126 = arith.muli %rem3A_124, %mul3A_125 : i32
    %add3A_127 = arith.constant 0 : i32
    %add3A_128 = arith.addi %mul3A_126, %add3A_127 : i32
    %mul3A_129 = arith.constant 16 : i32
    %mul3A_130 = arith.muli %rem3A_124, %mul3A_129 : i32
    %add3A_131 = arith.constant 8 : i32
    %add3A_132 = arith.addi %mul3A_130, %add3A_131 : i32
    %mul3A_133 = arith.constant 16 : i32
    %mul3A_134 = arith.muli %rem3A_124, %mul3A_133 : i32
    %add3A_135 = arith.constant 0 : i32
    %add3A_136 = arith.addi %mul3A_134, %add3A_135 : i32
    %mul3A_137 = arith.constant 16 : i32
    %mul3A_138 = arith.muli %rem3A_124, %mul3A_137 : i32
    %add3A_139 = arith.constant 8 : i32
    %add3A_140 = arith.addi %mul3A_138, %add3A_139 : i32
    %mul3A_141 = arith.constant 16 : i32
    %mul3A_142 = arith.muli %rem3A_124, %mul3A_141 : i32
    %add3A_143 = arith.constant 0 : i32
    %add3A_144 = arith.addi %mul3A_142, %add3A_143 : i32
    %mul3A_145 = arith.constant 16 : i32
    %mul3A_146 = arith.muli %rem3A_124, %mul3A_145 : i32
    %add3A_147 = arith.constant 8 : i32
    %add3A_148 = arith.addi %mul3A_146, %add3A_147 : i32
    %mul3A_149 = arith.constant 16 : i32
    %mul3A_150 = arith.muli %rem3A_124, %mul3A_149 : i32
    %add3A_151 = arith.constant 0 : i32
    %add3A_152 = arith.addi %mul3A_150, %add3A_151 : i32
    %mul3A_153 = arith.constant 16 : i32
    %mul3A_154 = arith.muli %rem3A_124, %mul3A_153 : i32
    %add3A_155 = arith.constant 8 : i32
    %add3A_156 = arith.addi %mul3A_154, %add3A_155 : i32
    %dma_wait3A_157 = arith.constant 198 : i32
    %dma_wait3A_158 = arith.constant 0 : i32
    %dma_wait3A_159 = arith.constant 0 : i32
    %dma_wait3A_160 = tpu.memref_slice %arg8[%add3A_128, %dma_wait3A_159] : memref<32x129xf32, #tpu.memory_space<vmem>> -> memref<8x128xf32, #tpu.memory_space<vmem>>
    %dma_wait3A_161 = arith.constant 0 : i32
    %dma_wait3A_162 = arith.constant 0 : i32
    %dma_wait3A_163 = tpu.memref_slice %arg5[%dma_wait3A_157, %dma_wait3A_158, %add3A, %dma_wait3A_161, %dma_wait3A_162] : memref<200x8x32x8x128xf32, #tpu.memory_space<hbm>> -> memref<1x1x1x8x128xf32, #tpu.memory_space<hbm>>
    %dma_wait3A_164 = tpu.memref_squeeze %dma_wait3A_163 : memref<1x1x1x8x128xf32, #tpu.memory_space<hbm>> -> memref<8x128xf32, #tpu.memory_space<hbm>>
    %dma_wait3A_165 = tpu.memref_slice %arg15[%rem3A_124] : memref<2x!tpu.dma_semaphore, #tpu.memory_space<semaphore_mem>> -> memref<1x!tpu.dma_semaphore, #tpu.memory_space<semaphore_mem>>
    %dma_wait3A_166 = tpu.memref_squeeze %dma_wait3A_165 : memref<1x!tpu.dma_semaphore, #tpu.memory_space<semaphore_mem>> -> memref<!tpu.dma_semaphore, #tpu.memory_space<semaphore_mem>>
    %dma_wait3A_167 = arith.constant 0 : i32
    %dma_wait3A_168 = arith.constant 0 : i32
    %dma_wait3A_169 = tpu.memref_slice %arg5[%dma_wait3A_157, %dma_wait3A_158, %add3A, %dma_wait3A_167, %dma_wait3A_168] : memref<200x8x32x8x128xf32, #tpu.memory_space<hbm>> -> memref<1x1x1x8x128xf32, #tpu.memory_space<hbm>>
    %dma_wait3A_170 = tpu.memref_squeeze %dma_wait3A_169 : memref<1x1x1x8x128xf32, #tpu.memory_space<hbm>> -> memref<8x128xf32, #tpu.memory_space<hbm>>
    %dma_wait3A_171 = arith.constant 0 : i32
    %dma_wait3A_172 = tpu.memref_slice %arg8[%add3A_128, %dma_wait3A_171] : memref<32x129xf32, #tpu.memory_space<vmem>> -> memref<8x128xf32, #tpu.memory_space<vmem>>
    tpu.wait_dma2 semaphore(%dma_wait3A_166 : memref<!tpu.dma_semaphore, #tpu.memory_space<semaphore_mem>>) src(%dma_wait3A_172 : memref<8x128xf32, #tpu.memory_space<vmem>>) dst(%dma_wait3A_170 : memref<8x128xf32, #tpu.memory_space<hbm>>)
    %dma_wait3A_173 = arith.constant 198 : i32
    %dma_wait3A_174 = arith.constant 1 : i32
    %dma_wait3A_175 = arith.constant 0 : i32
    %dma_wait3A_176 = tpu.memref_slice %arg8[%add3A_132, %dma_wait3A_175] : memref<32x129xf32, #tpu.memory_space<vmem>> -> memref<8x128xf32, #tpu.memory_space<vmem>>
    %dma_wait3A_177 = arith.constant 0 : i32
    %dma_wait3A_178 = arith.constant 0 : i32
    %dma_wait3A_179 = tpu.memref_slice %arg5[%dma_wait3A_173, %dma_wait3A_174, %add3A, %dma_wait3A_177, %dma_wait3A_178] : memref<200x8x32x8x128xf32, #tpu.memory_space<hbm>> -> memref<1x1x1x8x128xf32, #tpu.memory_space<hbm>>
    %dma_wait3A_180 = tpu.memref_squeeze %dma_wait3A_179 : memref<1x1x1x8x128xf32, #tpu.memory_space<hbm>> -> memref<8x128xf32, #tpu.memory_space<hbm>>
    %dma_wait3A_181 = tpu.memref_slice %arg15[%rem3A_124] : memref<2x!tpu.dma_semaphore, #tpu.memory_space<semaphore_mem>> -> memref<1x!tpu.dma_semaphore, #tpu.memory_space<semaphore_mem>>
    %dma_wait3A_182 = tpu.memref_squeeze %dma_wait3A_181 : memref<1x!tpu.dma_semaphore, #tpu.memory_space<semaphore_mem>> -> memref<!tpu.dma_semaphore, #tpu.memory_space<semaphore_mem>>
    %dma_wait3A_183 = arith.constant 0 : i32
    %dma_wait3A_184 = arith.constant 0 : i32
    %dma_wait3A_185 = tpu.memref_slice %arg5[%dma_wait3A_173, %dma_wait3A_174, %add3A, %dma_wait3A_183, %dma_wait3A_184] : memref<200x8x32x8x128xf32, #tpu.memory_space<hbm>> -> memref<1x1x1x8x128xf32, #tpu.memory_space<hbm>>
    %dma_wait3A_186 = tpu.memref_squeeze %dma_wait3A_185 : memref<1x1x1x8x128xf32, #tpu.memory_space<hbm>> -> memref<8x128xf32, #tpu.memory_space<hbm>>
    %dma_wait3A_187 = arith.constant 0 : i32
    %dma_wait3A_188 = tpu.memref_slice %arg8[%add3A_132, %dma_wait3A_187] : memref<32x129xf32, #tpu.memory_space<vmem>> -> memref<8x128xf32, #tpu.memory_space<vmem>>
    tpu.wait_dma2 semaphore(%dma_wait3A_182 : memref<!tpu.dma_semaphore, #tpu.memory_space<semaphore_mem>>) src(%dma_wait3A_188 : memref<8x128xf32, #tpu.memory_space<vmem>>) dst(%dma_wait3A_186 : memref<8x128xf32, #tpu.memory_space<hbm>>)
    %dma_wait3A_189 = arith.constant 198 : i32
    %dma_wait3A_190 = arith.constant 2 : i32
    %dma_wait3A_191 = arith.constant 0 : i32
    %dma_wait3A_192 = tpu.memref_slice %arg9[%add3A_136, %dma_wait3A_191] : memref<32x129xf32, #tpu.memory_space<vmem>> -> memref<8x128xf32, #tpu.memory_space<vmem>>
    %dma_wait3A_193 = arith.constant 0 : i32
    %dma_wait3A_194 = arith.constant 0 : i32
    %dma_wait3A_195 = tpu.memref_slice %arg5[%dma_wait3A_189, %dma_wait3A_190, %add3A, %dma_wait3A_193, %dma_wait3A_194] : memref<200x8x32x8x128xf32, #tpu.memory_space<hbm>> -> memref<1x1x1x8x128xf32, #tpu.memory_space<hbm>>
    %dma_wait3A_196 = tpu.memref_squeeze %dma_wait3A_195 : memref<1x1x1x8x128xf32, #tpu.memory_space<hbm>> -> memref<8x128xf32, #tpu.memory_space<hbm>>
    %dma_wait3A_197 = tpu.memref_slice %arg15[%rem3A_124] : memref<2x!tpu.dma_semaphore, #tpu.memory_space<semaphore_mem>> -> memref<1x!tpu.dma_semaphore, #tpu.memory_space<semaphore_mem>>
    %dma_wait3A_198 = tpu.memref_squeeze %dma_wait3A_197 : memref<1x!tpu.dma_semaphore, #tpu.memory_space<semaphore_mem>> -> memref<!tpu.dma_semaphore, #tpu.memory_space<semaphore_mem>>
    %dma_wait3A_199 = arith.constant 0 : i32
    %dma_wait3A_200 = arith.constant 0 : i32
    %dma_wait3A_201 = tpu.memref_slice %arg5[%dma_wait3A_189, %dma_wait3A_190, %add3A, %dma_wait3A_199, %dma_wait3A_200] : memref<200x8x32x8x128xf32, #tpu.memory_space<hbm>> -> memref<1x1x1x8x128xf32, #tpu.memory_space<hbm>>
    %dma_wait3A_202 = tpu.memref_squeeze %dma_wait3A_201 : memref<1x1x1x8x128xf32, #tpu.memory_space<hbm>> -> memref<8x128xf32, #tpu.memory_space<hbm>>
    %dma_wait3A_203 = arith.constant 0 : i32
    %dma_wait3A_204 = tpu.memref_slice %arg9[%add3A_136, %dma_wait3A_203] : memref<32x129xf32, #tpu.memory_space<vmem>> -> memref<8x128xf32, #tpu.memory_space<vmem>>
    tpu.wait_dma2 semaphore(%dma_wait3A_198 : memref<!tpu.dma_semaphore, #tpu.memory_space<semaphore_mem>>) src(%dma_wait3A_204 : memref<8x128xf32, #tpu.memory_space<vmem>>) dst(%dma_wait3A_202 : memref<8x128xf32, #tpu.memory_space<hbm>>)
    %dma_wait3A_205 = arith.constant 198 : i32
    %dma_wait3A_206 = arith.constant 3 : i32
    %dma_wait3A_207 = arith.constant 0 : i32
    %dma_wait3A_208 = tpu.memref_slice %arg9[%add3A_140, %dma_wait3A_207] : memref<32x129xf32, #tpu.memory_space<vmem>> -> memref<8x128xf32, #tpu.memory_space<vmem>>
    %dma_wait3A_209 = arith.constant 0 : i32
    %dma_wait3A_210 = arith.constant 0 : i32
    %dma_wait3A_211 = tpu.memref_slice %arg5[%dma_wait3A_205, %dma_wait3A_206, %add3A, %dma_wait3A_209, %dma_wait3A_210] : memref<200x8x32x8x128xf32, #tpu.memory_space<hbm>> -> memref<1x1x1x8x128xf32, #tpu.memory_space<hbm>>
    %dma_wait3A_212 = tpu.memref_squeeze %dma_wait3A_211 : memref<1x1x1x8x128xf32, #tpu.memory_space<hbm>> -> memref<8x128xf32, #tpu.memory_space<hbm>>
    %dma_wait3A_213 = tpu.memref_slice %arg15[%rem3A_124] : memref<2x!tpu.dma_semaphore, #tpu.memory_space<semaphore_mem>> -> memref<1x!tpu.dma_semaphore, #tpu.memory_space<semaphore_mem>>
    %dma_wait3A_214 = tpu.memref_squeeze %dma_wait3A_213 : memref<1x!tpu.dma_semaphore, #tpu.memory_space<semaphore_mem>> -> memref<!tpu.dma_semaphore, #tpu.memory_space<semaphore_mem>>
    %dma_wait3A_215 = arith.constant 0 : i32
    %dma_wait3A_216 = arith.constant 0 : i32
    %dma_wait3A_217 = tpu.memref_slice %arg5[%dma_wait3A_205, %dma_wait3A_206, %add3A, %dma_wait3A_215, %dma_wait3A_216] : memref<200x8x32x8x128xf32, #tpu.memory_space<hbm>> -> memref<1x1x1x8x128xf32, #tpu.memory_space<hbm>>
    %dma_wait3A_218 = tpu.memref_squeeze %dma_wait3A_217 : memref<1x1x1x8x128xf32, #tpu.memory_space<hbm>> -> memref<8x128xf32, #tpu.memory_space<hbm>>
    %dma_wait3A_219 = arith.constant 0 : i32
    %dma_wait3A_220 = tpu.memref_slice %arg9[%add3A_140, %dma_wait3A_219] : memref<32x129xf32, #tpu.memory_space<vmem>> -> memref<8x128xf32, #tpu.memory_space<vmem>>
    tpu.wait_dma2 semaphore(%dma_wait3A_214 : memref<!tpu.dma_semaphore, #tpu.memory_space<semaphore_mem>>) src(%dma_wait3A_220 : memref<8x128xf32, #tpu.memory_space<vmem>>) dst(%dma_wait3A_218 : memref<8x128xf32, #tpu.memory_space<hbm>>)
    %dma_wait3A_221 = arith.constant 198 : i32
    %dma_wait3A_222 = arith.constant 4 : i32
    %dma_wait3A_223 = arith.constant 0 : i32
    %dma_wait3A_224 = tpu.memref_slice %arg10[%add3A_144, %dma_wait3A_223] : memref<32x129xf32, #tpu.memory_space<vmem>> -> memref<8x128xf32, #tpu.memory_space<vmem>>
    %dma_wait3A_225 = arith.constant 0 : i32
    %dma_wait3A_226 = arith.constant 0 : i32
    %dma_wait3A_227 = tpu.memref_slice %arg5[%dma_wait3A_221, %dma_wait3A_222, %add3A, %dma_wait3A_225, %dma_wait3A_226] : memref<200x8x32x8x128xf32, #tpu.memory_space<hbm>> -> memref<1x1x1x8x128xf32, #tpu.memory_space<hbm>>
    %dma_wait3A_228 = tpu.memref_squeeze %dma_wait3A_227 : memref<1x1x1x8x128xf32, #tpu.memory_space<hbm>> -> memref<8x128xf32, #tpu.memory_space<hbm>>
    %dma_wait3A_229 = tpu.memref_slice %arg15[%rem3A_124] : memref<2x!tpu.dma_semaphore, #tpu.memory_space<semaphore_mem>> -> memref<1x!tpu.dma_semaphore, #tpu.memory_space<semaphore_mem>>
    %dma_wait3A_230 = tpu.memref_squeeze %dma_wait3A_229 : memref<1x!tpu.dma_semaphore, #tpu.memory_space<semaphore_mem>> -> memref<!tpu.dma_semaphore, #tpu.memory_space<semaphore_mem>>
    %dma_wait3A_231 = arith.constant 0 : i32
    %dma_wait3A_232 = arith.constant 0 : i32
    %dma_wait3A_233 = tpu.memref_slice %arg5[%dma_wait3A_221, %dma_wait3A_222, %add3A, %dma_wait3A_231, %dma_wait3A_232] : memref<200x8x32x8x128xf32, #tpu.memory_space<hbm>> -> memref<1x1x1x8x128xf32, #tpu.memory_space<hbm>>
    %dma_wait3A_234 = tpu.memref_squeeze %dma_wait3A_233 : memref<1x1x1x8x128xf32, #tpu.memory_space<hbm>> -> memref<8x128xf32, #tpu.memory_space<hbm>>
    %dma_wait3A_235 = arith.constant 0 : i32
    %dma_wait3A_236 = tpu.memref_slice %arg10[%add3A_144, %dma_wait3A_235] : memref<32x129xf32, #tpu.memory_space<vmem>> -> memref<8x128xf32, #tpu.memory_space<vmem>>
    tpu.wait_dma2 semaphore(%dma_wait3A_230 : memref<!tpu.dma_semaphore, #tpu.memory_space<semaphore_mem>>) src(%dma_wait3A_236 : memref<8x128xf32, #tpu.memory_space<vmem>>) dst(%dma_wait3A_234 : memref<8x128xf32, #tpu.memory_space<hbm>>)
    %dma_wait3A_237 = arith.constant 198 : i32
    %dma_wait3A_238 = arith.constant 5 : i32
    %dma_wait3A_239 = arith.constant 0 : i32
    %dma_wait3A_240 = tpu.memref_slice %arg10[%add3A_148, %dma_wait3A_239] : memref<32x129xf32, #tpu.memory_space<vmem>> -> memref<8x128xf32, #tpu.memory_space<vmem>>
    %dma_wait3A_241 = arith.constant 0 : i32
    %dma_wait3A_242 = arith.constant 0 : i32
    %dma_wait3A_243 = tpu.memref_slice %arg5[%dma_wait3A_237, %dma_wait3A_238, %add3A, %dma_wait3A_241, %dma_wait3A_242] : memref<200x8x32x8x128xf32, #tpu.memory_space<hbm>> -> memref<1x1x1x8x128xf32, #tpu.memory_space<hbm>>
    %dma_wait3A_244 = tpu.memref_squeeze %dma_wait3A_243 : memref<1x1x1x8x128xf32, #tpu.memory_space<hbm>> -> memref<8x128xf32, #tpu.memory_space<hbm>>
    %dma_wait3A_245 = tpu.memref_slice %arg15[%rem3A_124] : memref<2x!tpu.dma_semaphore, #tpu.memory_space<semaphore_mem>> -> memref<1x!tpu.dma_semaphore, #tpu.memory_space<semaphore_mem>>
    %dma_wait3A_246 = tpu.memref_squeeze %dma_wait3A_245 : memref<1x!tpu.dma_semaphore, #tpu.memory_space<semaphore_mem>> -> memref<!tpu.dma_semaphore, #tpu.memory_space<semaphore_mem>>
    %dma_wait3A_247 = arith.constant 0 : i32
    %dma_wait3A_248 = arith.constant 0 : i32
    %dma_wait3A_249 = tpu.memref_slice %arg5[%dma_wait3A_237, %dma_wait3A_238, %add3A, %dma_wait3A_247, %dma_wait3A_248] : memref<200x8x32x8x128xf32, #tpu.memory_space<hbm>> -> memref<1x1x1x8x128xf32, #tpu.memory_space<hbm>>
    %dma_wait3A_250 = tpu.memref_squeeze %dma_wait3A_249 : memref<1x1x1x8x128xf32, #tpu.memory_space<hbm>> -> memref<8x128xf32, #tpu.memory_space<hbm>>
    %dma_wait3A_251 = arith.constant 0 : i32
    %dma_wait3A_252 = tpu.memref_slice %arg10[%add3A_148, %dma_wait3A_251] : memref<32x129xf32, #tpu.memory_space<vmem>> -> memref<8x128xf32, #tpu.memory_space<vmem>>
    tpu.wait_dma2 semaphore(%dma_wait3A_246 : memref<!tpu.dma_semaphore, #tpu.memory_space<semaphore_mem>>) src(%dma_wait3A_252 : memref<8x128xf32, #tpu.memory_space<vmem>>) dst(%dma_wait3A_250 : memref<8x128xf32, #tpu.memory_space<hbm>>)
    %dma_wait3A_253 = arith.constant 198 : i32
    %dma_wait3A_254 = arith.constant 6 : i32
    %dma_wait3A_255 = arith.constant 0 : i32
    %dma_wait3A_256 = tpu.memref_slice %arg11[%add3A_152, %dma_wait3A_255] : memref<32x129xf32, #tpu.memory_space<vmem>> -> memref<8x128xf32, #tpu.memory_space<vmem>>
    %dma_wait3A_257 = arith.constant 0 : i32
    %dma_wait3A_258 = arith.constant 0 : i32
    %dma_wait3A_259 = tpu.memref_slice %arg5[%dma_wait3A_253, %dma_wait3A_254, %add3A, %dma_wait3A_257, %dma_wait3A_258] : memref<200x8x32x8x128xf32, #tpu.memory_space<hbm>> -> memref<1x1x1x8x128xf32, #tpu.memory_space<hbm>>
    %dma_wait3A_260 = tpu.memref_squeeze %dma_wait3A_259 : memref<1x1x1x8x128xf32, #tpu.memory_space<hbm>> -> memref<8x128xf32, #tpu.memory_space<hbm>>
    %dma_wait3A_261 = tpu.memref_slice %arg15[%rem3A_124] : memref<2x!tpu.dma_semaphore, #tpu.memory_space<semaphore_mem>> -> memref<1x!tpu.dma_semaphore, #tpu.memory_space<semaphore_mem>>
    %dma_wait3A_262 = tpu.memref_squeeze %dma_wait3A_261 : memref<1x!tpu.dma_semaphore, #tpu.memory_space<semaphore_mem>> -> memref<!tpu.dma_semaphore, #tpu.memory_space<semaphore_mem>>
    %dma_wait3A_263 = arith.constant 0 : i32
    %dma_wait3A_264 = arith.constant 0 : i32
    %dma_wait3A_265 = tpu.memref_slice %arg5[%dma_wait3A_253, %dma_wait3A_254, %add3A, %dma_wait3A_263, %dma_wait3A_264] : memref<200x8x32x8x128xf32, #tpu.memory_space<hbm>> -> memref<1x1x1x8x128xf32, #tpu.memory_space<hbm>>
    %dma_wait3A_266 = tpu.memref_squeeze %dma_wait3A_265 : memref<1x1x1x8x128xf32, #tpu.memory_space<hbm>> -> memref<8x128xf32, #tpu.memory_space<hbm>>
    %dma_wait3A_267 = arith.constant 0 : i32
    %dma_wait3A_268 = tpu.memref_slice %arg11[%add3A_152, %dma_wait3A_267] : memref<32x129xf32, #tpu.memory_space<vmem>> -> memref<8x128xf32, #tpu.memory_space<vmem>>
    tpu.wait_dma2 semaphore(%dma_wait3A_262 : memref<!tpu.dma_semaphore, #tpu.memory_space<semaphore_mem>>) src(%dma_wait3A_268 : memref<8x128xf32, #tpu.memory_space<vmem>>) dst(%dma_wait3A_266 : memref<8x128xf32, #tpu.memory_space<hbm>>)
    %dma_wait3A_269 = arith.constant 198 : i32
    %dma_wait3A_270 = arith.constant 7 : i32
    %dma_wait3A_271 = arith.constant 0 : i32
    %dma_wait3A_272 = tpu.memref_slice %arg11[%add3A_156, %dma_wait3A_271] : memref<32x129xf32, #tpu.memory_space<vmem>> -> memref<8x128xf32, #tpu.memory_space<vmem>>
    %dma_wait3A_273 = arith.constant 0 : i32
    %dma_wait3A_274 = arith.constant 0 : i32
    %dma_wait3A_275 = tpu.memref_slice %arg5[%dma_wait3A_269, %dma_wait3A_270, %add3A, %dma_wait3A_273, %dma_wait3A_274] : memref<200x8x32x8x128xf32, #tpu.memory_space<hbm>> -> memref<1x1x1x8x128xf32, #tpu.memory_space<hbm>>
    %dma_wait3A_276 = tpu.memref_squeeze %dma_wait3A_275 : memref<1x1x1x8x128xf32, #tpu.memory_space<hbm>> -> memref<8x128xf32, #tpu.memory_space<hbm>>
    %dma_wait3A_277 = tpu.memref_slice %arg15[%rem3A_124] : memref<2x!tpu.dma_semaphore, #tpu.memory_space<semaphore_mem>> -> memref<1x!tpu.dma_semaphore, #tpu.memory_space<semaphore_mem>>
    %dma_wait3A_278 = tpu.memref_squeeze %dma_wait3A_277 : memref<1x!tpu.dma_semaphore, #tpu.memory_space<semaphore_mem>> -> memref<!tpu.dma_semaphore, #tpu.memory_space<semaphore_mem>>
    %dma_wait3A_279 = arith.constant 0 : i32
    %dma_wait3A_280 = arith.constant 0 : i32
    %dma_wait3A_281 = tpu.memref_slice %arg5[%dma_wait3A_269, %dma_wait3A_270, %add3A, %dma_wait3A_279, %dma_wait3A_280] : memref<200x8x32x8x128xf32, #tpu.memory_space<hbm>> -> memref<1x1x1x8x128xf32, #tpu.memory_space<hbm>>
    %dma_wait3A_282 = tpu.memref_squeeze %dma_wait3A_281 : memref<1x1x1x8x128xf32, #tpu.memory_space<hbm>> -> memref<8x128xf32, #tpu.memory_space<hbm>>
    %dma_wait3A_283 = arith.constant 0 : i32
    %dma_wait3A_284 = tpu.memref_slice %arg11[%add3A_156, %dma_wait3A_283] : memref<32x129xf32, #tpu.memory_space<vmem>> -> memref<8x128xf32, #tpu.memory_space<vmem>>
    tpu.wait_dma2 semaphore(%dma_wait3A_278 : memref<!tpu.dma_semaphore, #tpu.memory_space<semaphore_mem>>) src(%dma_wait3A_284 : memref<8x128xf32, #tpu.memory_space<vmem>>) dst(%dma_wait3A_282 : memref<8x128xf32, #tpu.memory_space<hbm>>)
    %rem3A_285 = arith.constant 199 : i32
    %rem3A_286 = arith.constant 2 : i32
    %rem3A_287 = arith.remsi %rem3A_285, %rem3A_286 : i32
    %mul3A_288 = arith.constant 16 : i32
    %mul3A_289 = arith.muli %rem3A_287, %mul3A_288 : i32
    %add3A_290 = arith.constant 0 : i32
    %add3A_291 = arith.addi %mul3A_289, %add3A_290 : i32
    %mul3A_292 = arith.constant 16 : i32
    %mul3A_293 = arith.muli %rem3A_287, %mul3A_292 : i32
    %add3A_294 = arith.constant 8 : i32
    %add3A_295 = arith.addi %mul3A_293, %add3A_294 : i32
    %mul3A_296 = arith.constant 16 : i32
    %mul3A_297 = arith.muli %rem3A_287, %mul3A_296 : i32
    %add3A_298 = arith.constant 0 : i32
    %add3A_299 = arith.addi %mul3A_297, %add3A_298 : i32
    %mul3A_300 = arith.constant 16 : i32
    %mul3A_301 = arith.muli %rem3A_287, %mul3A_300 : i32
    %add3A_302 = arith.constant 8 : i32
    %add3A_303 = arith.addi %mul3A_301, %add3A_302 : i32
    %mul3A_304 = arith.constant 16 : i32
    %mul3A_305 = arith.muli %rem3A_287, %mul3A_304 : i32
    %add3A_306 = arith.constant 0 : i32
    %add3A_307 = arith.addi %mul3A_305, %add3A_306 : i32
    %mul3A_308 = arith.constant 16 : i32
    %mul3A_309 = arith.muli %rem3A_287, %mul3A_308 : i32
    %add3A_310 = arith.constant 8 : i32
    %add3A_311 = arith.addi %mul3A_309, %add3A_310 : i32
    %mul3A_312 = arith.constant 16 : i32
    %mul3A_313 = arith.muli %rem3A_287, %mul3A_312 : i32
    %add3A_314 = arith.constant 0 : i32
    %add3A_315 = arith.addi %mul3A_313, %add3A_314 : i32
    %mul3A_316 = arith.constant 16 : i32
    %mul3A_317 = arith.muli %rem3A_287, %mul3A_316 : i32
    %add3A_318 = arith.constant 8 : i32
    %add3A_319 = arith.addi %mul3A_317, %add3A_318 : i32
    %dma_wait3A_320 = arith.constant 199 : i32
    %dma_wait3A_321 = arith.constant 0 : i32
    %dma_wait3A_322 = arith.constant 0 : i32
    %dma_wait3A_323 = tpu.memref_slice %arg8[%add3A_291, %dma_wait3A_322] : memref<32x129xf32, #tpu.memory_space<vmem>> -> memref<8x128xf32, #tpu.memory_space<vmem>>
    %dma_wait3A_324 = arith.constant 0 : i32
    %dma_wait3A_325 = arith.constant 0 : i32
    %dma_wait3A_326 = tpu.memref_slice %arg5[%dma_wait3A_320, %dma_wait3A_321, %add3A, %dma_wait3A_324, %dma_wait3A_325] : memref<200x8x32x8x128xf32, #tpu.memory_space<hbm>> -> memref<1x1x1x8x128xf32, #tpu.memory_space<hbm>>
    %dma_wait3A_327 = tpu.memref_squeeze %dma_wait3A_326 : memref<1x1x1x8x128xf32, #tpu.memory_space<hbm>> -> memref<8x128xf32, #tpu.memory_space<hbm>>
    %dma_wait3A_328 = tpu.memref_slice %arg15[%rem3A_287] : memref<2x!tpu.dma_semaphore, #tpu.memory_space<semaphore_mem>> -> memref<1x!tpu.dma_semaphore, #tpu.memory_space<semaphore_mem>>
    %dma_wait3A_329 = tpu.memref_squeeze %dma_wait3A_328 : memref<1x!tpu.dma_semaphore, #tpu.memory_space<semaphore_mem>> -> memref<!tpu.dma_semaphore, #tpu.memory_space<semaphore_mem>>
    %dma_wait3A_330 = arith.constant 0 : i32
    %dma_wait3A_331 = arith.constant 0 : i32
    %dma_wait3A_332 = tpu.memref_slice %arg5[%dma_wait3A_320, %dma_wait3A_321, %add3A, %dma_wait3A_330, %dma_wait3A_331] : memref<200x8x32x8x128xf32, #tpu.memory_space<hbm>> -> memref<1x1x1x8x128xf32, #tpu.memory_space<hbm>>
    %dma_wait3A_333 = tpu.memref_squeeze %dma_wait3A_332 : memref<1x1x1x8x128xf32, #tpu.memory_space<hbm>> -> memref<8x128xf32, #tpu.memory_space<hbm>>
    %dma_wait3A_334 = arith.constant 0 : i32
    %dma_wait3A_335 = tpu.memref_slice %arg8[%add3A_291, %dma_wait3A_334] : memref<32x129xf32, #tpu.memory_space<vmem>> -> memref<8x128xf32, #tpu.memory_space<vmem>>
    tpu.wait_dma2 semaphore(%dma_wait3A_329 : memref<!tpu.dma_semaphore, #tpu.memory_space<semaphore_mem>>) src(%dma_wait3A_335 : memref<8x128xf32, #tpu.memory_space<vmem>>) dst(%dma_wait3A_333 : memref<8x128xf32, #tpu.memory_space<hbm>>)
    %dma_wait3A_336 = arith.constant 199 : i32
    %dma_wait3A_337 = arith.constant 1 : i32
    %dma_wait3A_338 = arith.constant 0 : i32
    %dma_wait3A_339 = tpu.memref_slice %arg8[%add3A_295, %dma_wait3A_338] : memref<32x129xf32, #tpu.memory_space<vmem>> -> memref<8x128xf32, #tpu.memory_space<vmem>>
    %dma_wait3A_340 = arith.constant 0 : i32
    %dma_wait3A_341 = arith.constant 0 : i32
    %dma_wait3A_342 = tpu.memref_slice %arg5[%dma_wait3A_336, %dma_wait3A_337, %add3A, %dma_wait3A_340, %dma_wait3A_341] : memref<200x8x32x8x128xf32, #tpu.memory_space<hbm>> -> memref<1x1x1x8x128xf32, #tpu.memory_space<hbm>>
    %dma_wait3A_343 = tpu.memref_squeeze %dma_wait3A_342 : memref<1x1x1x8x128xf32, #tpu.memory_space<hbm>> -> memref<8x128xf32, #tpu.memory_space<hbm>>
    %dma_wait3A_344 = tpu.memref_slice %arg15[%rem3A_287] : memref<2x!tpu.dma_semaphore, #tpu.memory_space<semaphore_mem>> -> memref<1x!tpu.dma_semaphore, #tpu.memory_space<semaphore_mem>>
    %dma_wait3A_345 = tpu.memref_squeeze %dma_wait3A_344 : memref<1x!tpu.dma_semaphore, #tpu.memory_space<semaphore_mem>> -> memref<!tpu.dma_semaphore, #tpu.memory_space<semaphore_mem>>
    %dma_wait3A_346 = arith.constant 0 : i32
    %dma_wait3A_347 = arith.constant 0 : i32
    %dma_wait3A_348 = tpu.memref_slice %arg5[%dma_wait3A_336, %dma_wait3A_337, %add3A, %dma_wait3A_346, %dma_wait3A_347] : memref<200x8x32x8x128xf32, #tpu.memory_space<hbm>> -> memref<1x1x1x8x128xf32, #tpu.memory_space<hbm>>
    %dma_wait3A_349 = tpu.memref_squeeze %dma_wait3A_348 : memref<1x1x1x8x128xf32, #tpu.memory_space<hbm>> -> memref<8x128xf32, #tpu.memory_space<hbm>>
    %dma_wait3A_350 = arith.constant 0 : i32
    %dma_wait3A_351 = tpu.memref_slice %arg8[%add3A_295, %dma_wait3A_350] : memref<32x129xf32, #tpu.memory_space<vmem>> -> memref<8x128xf32, #tpu.memory_space<vmem>>
    tpu.wait_dma2 semaphore(%dma_wait3A_345 : memref<!tpu.dma_semaphore, #tpu.memory_space<semaphore_mem>>) src(%dma_wait3A_351 : memref<8x128xf32, #tpu.memory_space<vmem>>) dst(%dma_wait3A_349 : memref<8x128xf32, #tpu.memory_space<hbm>>)
    %dma_wait3A_352 = arith.constant 199 : i32
    %dma_wait3A_353 = arith.constant 2 : i32
    %dma_wait3A_354 = arith.constant 0 : i32
    %dma_wait3A_355 = tpu.memref_slice %arg9[%add3A_299, %dma_wait3A_354] : memref<32x129xf32, #tpu.memory_space<vmem>> -> memref<8x128xf32, #tpu.memory_space<vmem>>
    %dma_wait3A_356 = arith.constant 0 : i32
    %dma_wait3A_357 = arith.constant 0 : i32
    %dma_wait3A_358 = tpu.memref_slice %arg5[%dma_wait3A_352, %dma_wait3A_353, %add3A, %dma_wait3A_356, %dma_wait3A_357] : memref<200x8x32x8x128xf32, #tpu.memory_space<hbm>> -> memref<1x1x1x8x128xf32, #tpu.memory_space<hbm>>
    %dma_wait3A_359 = tpu.memref_squeeze %dma_wait3A_358 : memref<1x1x1x8x128xf32, #tpu.memory_space<hbm>> -> memref<8x128xf32, #tpu.memory_space<hbm>>
    %dma_wait3A_360 = tpu.memref_slice %arg15[%rem3A_287] : memref<2x!tpu.dma_semaphore, #tpu.memory_space<semaphore_mem>> -> memref<1x!tpu.dma_semaphore, #tpu.memory_space<semaphore_mem>>
    %dma_wait3A_361 = tpu.memref_squeeze %dma_wait3A_360 : memref<1x!tpu.dma_semaphore, #tpu.memory_space<semaphore_mem>> -> memref<!tpu.dma_semaphore, #tpu.memory_space<semaphore_mem>>
    %dma_wait3A_362 = arith.constant 0 : i32
    %dma_wait3A_363 = arith.constant 0 : i32
    %dma_wait3A_364 = tpu.memref_slice %arg5[%dma_wait3A_352, %dma_wait3A_353, %add3A, %dma_wait3A_362, %dma_wait3A_363] : memref<200x8x32x8x128xf32, #tpu.memory_space<hbm>> -> memref<1x1x1x8x128xf32, #tpu.memory_space<hbm>>
    %dma_wait3A_365 = tpu.memref_squeeze %dma_wait3A_364 : memref<1x1x1x8x128xf32, #tpu.memory_space<hbm>> -> memref<8x128xf32, #tpu.memory_space<hbm>>
    %dma_wait3A_366 = arith.constant 0 : i32
    %dma_wait3A_367 = tpu.memref_slice %arg9[%add3A_299, %dma_wait3A_366] : memref<32x129xf32, #tpu.memory_space<vmem>> -> memref<8x128xf32, #tpu.memory_space<vmem>>
    tpu.wait_dma2 semaphore(%dma_wait3A_361 : memref<!tpu.dma_semaphore, #tpu.memory_space<semaphore_mem>>) src(%dma_wait3A_367 : memref<8x128xf32, #tpu.memory_space<vmem>>) dst(%dma_wait3A_365 : memref<8x128xf32, #tpu.memory_space<hbm>>)
    %dma_wait3A_368 = arith.constant 199 : i32
    %dma_wait3A_369 = arith.constant 3 : i32
    %dma_wait3A_370 = arith.constant 0 : i32
    %dma_wait3A_371 = tpu.memref_slice %arg9[%add3A_303, %dma_wait3A_370] : memref<32x129xf32, #tpu.memory_space<vmem>> -> memref<8x128xf32, #tpu.memory_space<vmem>>
    %dma_wait3A_372 = arith.constant 0 : i32
    %dma_wait3A_373 = arith.constant 0 : i32
    %dma_wait3A_374 = tpu.memref_slice %arg5[%dma_wait3A_368, %dma_wait3A_369, %add3A, %dma_wait3A_372, %dma_wait3A_373] : memref<200x8x32x8x128xf32, #tpu.memory_space<hbm>> -> memref<1x1x1x8x128xf32, #tpu.memory_space<hbm>>
    %dma_wait3A_375 = tpu.memref_squeeze %dma_wait3A_374 : memref<1x1x1x8x128xf32, #tpu.memory_space<hbm>> -> memref<8x128xf32, #tpu.memory_space<hbm>>
    %dma_wait3A_376 = tpu.memref_slice %arg15[%rem3A_287] : memref<2x!tpu.dma_semaphore, #tpu.memory_space<semaphore_mem>> -> memref<1x!tpu.dma_semaphore, #tpu.memory_space<semaphore_mem>>
    %dma_wait3A_377 = tpu.memref_squeeze %dma_wait3A_376 : memref<1x!tpu.dma_semaphore, #tpu.memory_space<semaphore_mem>> -> memref<!tpu.dma_semaphore, #tpu.memory_space<semaphore_mem>>
    %dma_wait3A_378 = arith.constant 0 : i32
    %dma_wait3A_379 = arith.constant 0 : i32
    %dma_wait3A_380 = tpu.memref_slice %arg5[%dma_wait3A_368, %dma_wait3A_369, %add3A, %dma_wait3A_378, %dma_wait3A_379] : memref<200x8x32x8x128xf32, #tpu.memory_space<hbm>> -> memref<1x1x1x8x128xf32, #tpu.memory_space<hbm>>
    %dma_wait3A_381 = tpu.memref_squeeze %dma_wait3A_380 : memref<1x1x1x8x128xf32, #tpu.memory_space<hbm>> -> memref<8x128xf32, #tpu.memory_space<hbm>>
    %dma_wait3A_382 = arith.constant 0 : i32
    %dma_wait3A_383 = tpu.memref_slice %arg9[%add3A_303, %dma_wait3A_382] : memref<32x129xf32, #tpu.memory_space<vmem>> -> memref<8x128xf32, #tpu.memory_space<vmem>>
    tpu.wait_dma2 semaphore(%dma_wait3A_377 : memref<!tpu.dma_semaphore, #tpu.memory_space<semaphore_mem>>) src(%dma_wait3A_383 : memref<8x128xf32, #tpu.memory_space<vmem>>) dst(%dma_wait3A_381 : memref<8x128xf32, #tpu.memory_space<hbm>>)
    %dma_wait3A_384 = arith.constant 199 : i32
    %dma_wait3A_385 = arith.constant 4 : i32
    %dma_wait3A_386 = arith.constant 0 : i32
    %dma_wait3A_387 = tpu.memref_slice %arg10[%add3A_307, %dma_wait3A_386] : memref<32x129xf32, #tpu.memory_space<vmem>> -> memref<8x128xf32, #tpu.memory_space<vmem>>
    %dma_wait3A_388 = arith.constant 0 : i32
    %dma_wait3A_389 = arith.constant 0 : i32
    %dma_wait3A_390 = tpu.memref_slice %arg5[%dma_wait3A_384, %dma_wait3A_385, %add3A, %dma_wait3A_388, %dma_wait3A_389] : memref<200x8x32x8x128xf32, #tpu.memory_space<hbm>> -> memref<1x1x1x8x128xf32, #tpu.memory_space<hbm>>
    %dma_wait3A_391 = tpu.memref_squeeze %dma_wait3A_390 : memref<1x1x1x8x128xf32, #tpu.memory_space<hbm>> -> memref<8x128xf32, #tpu.memory_space<hbm>>
    %dma_wait3A_392 = tpu.memref_slice %arg15[%rem3A_287] : memref<2x!tpu.dma_semaphore, #tpu.memory_space<semaphore_mem>> -> memref<1x!tpu.dma_semaphore, #tpu.memory_space<semaphore_mem>>
    %dma_wait3A_393 = tpu.memref_squeeze %dma_wait3A_392 : memref<1x!tpu.dma_semaphore, #tpu.memory_space<semaphore_mem>> -> memref<!tpu.dma_semaphore, #tpu.memory_space<semaphore_mem>>
    %dma_wait3A_394 = arith.constant 0 : i32
    %dma_wait3A_395 = arith.constant 0 : i32
    %dma_wait3A_396 = tpu.memref_slice %arg5[%dma_wait3A_384, %dma_wait3A_385, %add3A, %dma_wait3A_394, %dma_wait3A_395] : memref<200x8x32x8x128xf32, #tpu.memory_space<hbm>> -> memref<1x1x1x8x128xf32, #tpu.memory_space<hbm>>
    %dma_wait3A_397 = tpu.memref_squeeze %dma_wait3A_396 : memref<1x1x1x8x128xf32, #tpu.memory_space<hbm>> -> memref<8x128xf32, #tpu.memory_space<hbm>>
    %dma_wait3A_398 = arith.constant 0 : i32
    %dma_wait3A_399 = tpu.memref_slice %arg10[%add3A_307, %dma_wait3A_398] : memref<32x129xf32, #tpu.memory_space<vmem>> -> memref<8x128xf32, #tpu.memory_space<vmem>>
    tpu.wait_dma2 semaphore(%dma_wait3A_393 : memref<!tpu.dma_semaphore, #tpu.memory_space<semaphore_mem>>) src(%dma_wait3A_399 : memref<8x128xf32, #tpu.memory_space<vmem>>) dst(%dma_wait3A_397 : memref<8x128xf32, #tpu.memory_space<hbm>>)
    %dma_wait3A_400 = arith.constant 199 : i32
    %dma_wait3A_401 = arith.constant 5 : i32
    %dma_wait3A_402 = arith.constant 0 : i32
    %dma_wait3A_403 = tpu.memref_slice %arg10[%add3A_311, %dma_wait3A_402] : memref<32x129xf32, #tpu.memory_space<vmem>> -> memref<8x128xf32, #tpu.memory_space<vmem>>
    %dma_wait3A_404 = arith.constant 0 : i32
    %dma_wait3A_405 = arith.constant 0 : i32
    %dma_wait3A_406 = tpu.memref_slice %arg5[%dma_wait3A_400, %dma_wait3A_401, %add3A, %dma_wait3A_404, %dma_wait3A_405] : memref<200x8x32x8x128xf32, #tpu.memory_space<hbm>> -> memref<1x1x1x8x128xf32, #tpu.memory_space<hbm>>
    %dma_wait3A_407 = tpu.memref_squeeze %dma_wait3A_406 : memref<1x1x1x8x128xf32, #tpu.memory_space<hbm>> -> memref<8x128xf32, #tpu.memory_space<hbm>>
    %dma_wait3A_408 = tpu.memref_slice %arg15[%rem3A_287] : memref<2x!tpu.dma_semaphore, #tpu.memory_space<semaphore_mem>> -> memref<1x!tpu.dma_semaphore, #tpu.memory_space<semaphore_mem>>
    %dma_wait3A_409 = tpu.memref_squeeze %dma_wait3A_408 : memref<1x!tpu.dma_semaphore, #tpu.memory_space<semaphore_mem>> -> memref<!tpu.dma_semaphore, #tpu.memory_space<semaphore_mem>>
    %dma_wait3A_410 = arith.constant 0 : i32
    %dma_wait3A_411 = arith.constant 0 : i32
    %dma_wait3A_412 = tpu.memref_slice %arg5[%dma_wait3A_400, %dma_wait3A_401, %add3A, %dma_wait3A_410, %dma_wait3A_411] : memref<200x8x32x8x128xf32, #tpu.memory_space<hbm>> -> memref<1x1x1x8x128xf32, #tpu.memory_space<hbm>>
    %dma_wait3A_413 = tpu.memref_squeeze %dma_wait3A_412 : memref<1x1x1x8x128xf32, #tpu.memory_space<hbm>> -> memref<8x128xf32, #tpu.memory_space<hbm>>
    %dma_wait3A_414 = arith.constant 0 : i32
    %dma_wait3A_415 = tpu.memref_slice %arg10[%add3A_311, %dma_wait3A_414] : memref<32x129xf32, #tpu.memory_space<vmem>> -> memref<8x128xf32, #tpu.memory_space<vmem>>
    tpu.wait_dma2 semaphore(%dma_wait3A_409 : memref<!tpu.dma_semaphore, #tpu.memory_space<semaphore_mem>>) src(%dma_wait3A_415 : memref<8x128xf32, #tpu.memory_space<vmem>>) dst(%dma_wait3A_413 : memref<8x128xf32, #tpu.memory_space<hbm>>)
    %dma_wait3A_416 = arith.constant 199 : i32
    %dma_wait3A_417 = arith.constant 6 : i32
    %dma_wait3A_418 = arith.constant 0 : i32
    %dma_wait3A_419 = tpu.memref_slice %arg11[%add3A_315, %dma_wait3A_418] : memref<32x129xf32, #tpu.memory_space<vmem>> -> memref<8x128xf32, #tpu.memory_space<vmem>>
    %dma_wait3A_420 = arith.constant 0 : i32
    %dma_wait3A_421 = arith.constant 0 : i32
    %dma_wait3A_422 = tpu.memref_slice %arg5[%dma_wait3A_416, %dma_wait3A_417, %add3A, %dma_wait3A_420, %dma_wait3A_421] : memref<200x8x32x8x128xf32, #tpu.memory_space<hbm>> -> memref<1x1x1x8x128xf32, #tpu.memory_space<hbm>>
    %dma_wait3A_423 = tpu.memref_squeeze %dma_wait3A_422 : memref<1x1x1x8x128xf32, #tpu.memory_space<hbm>> -> memref<8x128xf32, #tpu.memory_space<hbm>>
    %dma_wait3A_424 = tpu.memref_slice %arg15[%rem3A_287] : memref<2x!tpu.dma_semaphore, #tpu.memory_space<semaphore_mem>> -> memref<1x!tpu.dma_semaphore, #tpu.memory_space<semaphore_mem>>
    %dma_wait3A_425 = tpu.memref_squeeze %dma_wait3A_424 : memref<1x!tpu.dma_semaphore, #tpu.memory_space<semaphore_mem>> -> memref<!tpu.dma_semaphore, #tpu.memory_space<semaphore_mem>>
    %dma_wait3A_426 = arith.constant 0 : i32
    %dma_wait3A_427 = arith.constant 0 : i32
    %dma_wait3A_428 = tpu.memref_slice %arg5[%dma_wait3A_416, %dma_wait3A_417, %add3A, %dma_wait3A_426, %dma_wait3A_427] : memref<200x8x32x8x128xf32, #tpu.memory_space<hbm>> -> memref<1x1x1x8x128xf32, #tpu.memory_space<hbm>>
    %dma_wait3A_429 = tpu.memref_squeeze %dma_wait3A_428 : memref<1x1x1x8x128xf32, #tpu.memory_space<hbm>> -> memref<8x128xf32, #tpu.memory_space<hbm>>
    %dma_wait3A_430 = arith.constant 0 : i32
    %dma_wait3A_431 = tpu.memref_slice %arg11[%add3A_315, %dma_wait3A_430] : memref<32x129xf32, #tpu.memory_space<vmem>> -> memref<8x128xf32, #tpu.memory_space<vmem>>
    tpu.wait_dma2 semaphore(%dma_wait3A_425 : memref<!tpu.dma_semaphore, #tpu.memory_space<semaphore_mem>>) src(%dma_wait3A_431 : memref<8x128xf32, #tpu.memory_space<vmem>>) dst(%dma_wait3A_429 : memref<8x128xf32, #tpu.memory_space<hbm>>)
    %dma_wait3A_432 = arith.constant 199 : i32
    %dma_wait3A_433 = arith.constant 7 : i32
    %dma_wait3A_434 = arith.constant 0 : i32
    %dma_wait3A_435 = tpu.memref_slice %arg11[%add3A_319, %dma_wait3A_434] : memref<32x129xf32, #tpu.memory_space<vmem>> -> memref<8x128xf32, #tpu.memory_space<vmem>>
    %dma_wait3A_436 = arith.constant 0 : i32
    %dma_wait3A_437 = arith.constant 0 : i32
    %dma_wait3A_438 = tpu.memref_slice %arg5[%dma_wait3A_432, %dma_wait3A_433, %add3A, %dma_wait3A_436, %dma_wait3A_437] : memref<200x8x32x8x128xf32, #tpu.memory_space<hbm>> -> memref<1x1x1x8x128xf32, #tpu.memory_space<hbm>>
    %dma_wait3A_439 = tpu.memref_squeeze %dma_wait3A_438 : memref<1x1x1x8x128xf32, #tpu.memory_space<hbm>> -> memref<8x128xf32, #tpu.memory_space<hbm>>
    %dma_wait3A_440 = tpu.memref_slice %arg15[%rem3A_287] : memref<2x!tpu.dma_semaphore, #tpu.memory_space<semaphore_mem>> -> memref<1x!tpu.dma_semaphore, #tpu.memory_space<semaphore_mem>>
    %dma_wait3A_441 = tpu.memref_squeeze %dma_wait3A_440 : memref<1x!tpu.dma_semaphore, #tpu.memory_space<semaphore_mem>> -> memref<!tpu.dma_semaphore, #tpu.memory_space<semaphore_mem>>
    %dma_wait3A_442 = arith.constant 0 : i32
    %dma_wait3A_443 = arith.constant 0 : i32
    %dma_wait3A_444 = tpu.memref_slice %arg5[%dma_wait3A_432, %dma_wait3A_433, %add3A, %dma_wait3A_442, %dma_wait3A_443] : memref<200x8x32x8x128xf32, #tpu.memory_space<hbm>> -> memref<1x1x1x8x128xf32, #tpu.memory_space<hbm>>
    %dma_wait3A_445 = tpu.memref_squeeze %dma_wait3A_444 : memref<1x1x1x8x128xf32, #tpu.memory_space<hbm>> -> memref<8x128xf32, #tpu.memory_space<hbm>>
    %dma_wait3A_446 = arith.constant 0 : i32
    %dma_wait3A_447 = tpu.memref_slice %arg11[%add3A_319, %dma_wait3A_446] : memref<32x129xf32, #tpu.memory_space<vmem>> -> memref<8x128xf32, #tpu.memory_space<vmem>>
    tpu.wait_dma2 semaphore(%dma_wait3A_441 : memref<!tpu.dma_semaphore, #tpu.memory_space<semaphore_mem>>) src(%dma_wait3A_447 : memref<8x128xf32, #tpu.memory_space<vmem>>) dst(%dma_wait3A_445 : memref<8x128xf32, #tpu.memory_space<hbm>>)
    return
  }
}

</mosaic_0001>

<sc_bundles>
// kernel: kernel.3.cloned.1.call-start
scs
__scs_entry_jumppad:
0x0: {  	(pc) =	sbr.rel $0x88, $3  }
0x1: {  	(tag) =	ssettag $0x0;
	lr =	simm.s32 $0x1  }
0x2: {  	[smem:$0x3F9E] =	sst lr;
	_ =	strace $0xD0000000  }
0x3: {  	_ = 	snop  }
0x4: {  	_ = 	snop  }
0x5: {  	_ = 	snop  }
0x6: {  	_ = 	snop  }
0x7: {  	_ = 	snop  }
__scs_overlays_trampoline_lowered:
0x8: {  	[smem:$0x3FAD] =	sst s0  }
0x9: {  	[smem:$0x3FAE] =	sst s1  }
0xa: {  	[smem:$0x3FAF] =	sst s2  }
0xb: {  	[smem:$0x3FB0] =	sst s3  }
0xc: {  	[smem:$0x3FB1] =	sst s4  }
0xd: {  	[smem:$0x3FB2] =	sst s5  }
0xe: {  	[smem:$0x3FB3] =	sst s6  }
0xf: {  	[smem:$0x3FB4] =	sst s7  }
0x10: {  	[smem:$0x3FB5] =	sst s8  }
0x11: {  	[smem:$0x3FB6] =	sst s9;
	s0 =	simm.s32 @!p0 $0x0  }
0x12: {  	s1 =	sld [smem:$0x3F9C];
	s0 =	simm.s32 @p0 $0x1  }
0x13: {  	[smem:$0x3FB7] =	sst s0;
	s0 =	simm.s32 @!p1 $0x0  }
0x14: {  	s2 =	sld [smem:$0x3F9B];
	s0 =	simm.s32 @p1 $0x1  }
0x15: {  	[smem:$0x3FB8] =	sst s0;
	s0 =	simm.s32 @!p2 $0x0  }
0x16: {  	s3 =	sld [smem:$0x3FDB];
	s0 =	simm.s32 @p2 $0x1  }
0x17: {  	s4 =	simm.s32 $0x1BF5;
	[smem:$0x3FBA] =	sst s0  }
0x18: {  	s0 =	sld [smem:$0x3F9D];
	_ =	swait.ge [sflag:s4], $0x0  }
0x19: {  	s7 =	sld [smem:$0x3F9E]  }
0x1a: {  	s8 =	sadd.s32 $0xFFFFE003, lr  }
0x1b: {  	s9 =	sadd.s32 $0xFFFFFEF7, lr;
	s5 =	simm.s32 $0xFFFFFFFF;
	p2 =	slt.u32 s8, $0xFFFFF086  }
0x1c: {  	p1 =	slt.u32 s9, $0xF7A;
	s5 =	simm.s32 @!p2 $0x0  }
0x1d: {  	s5 =	simm.s32 @p1 $0x1;
	p0 =	seq.s32 s7, s2  }
0x1e: {  	s7 =	smul.u32 @!p0 $0xF7A, s2;
	p2 =	seq.s32 @!p0 s5, $0x0  }
0x1f: {  	s9 =	smul.u32 $0xF7A, s1;
	s8 =	simm.s32 @!p0 $0x1BF5;
	p2 =	por !p2, p0  }
0x20: {  	[sflag:s8] =	ssyncset.s32 @!p0 $0xFFFFF086;
	s6 =	sadd.s32 @!p0 s3, s7;
	s7 =	simm.s32 @!p0 $0x108  }
0x21: {  	s3 =	sadd.s32 s3, s9;
	s6 =	sadd.s32 @!p0 $0x88, s6;
	s7 =	simm.s32 @p2 $0x1082  }
0x22: {  	[simem:s7], [sflag:s8] =	dma.local @!p0 [hbm:s6], $0xF7A  }
0x23: {  	s9 =	sor.u32 $0xD0000000, s2;
	s6 =	simm.s32 $0x108;
	_ =	swait.ge @!p0 [sflag:s8], $0x0  }
0x24: {  	s3 =	sadd.s32 $0x88, s3;
	s6 =	simm.s32 @!p1 $0x1082;
	[sflag:s4] =	ssyncset.s32 $0xFFFFF086  }
0x25: {  	[simem:s6], [sflag:s4] =	dma.local [hbm:s3], $0xF7A  }
0x26: {  	[smem:$0x3F9E] =	sst s1;
	(tag) =	ssettag s2;
	_ =	strace s9  }
0x27: {  	s1 =	sld [smem:$0x3FAE]  }
0x28: {  	s2 =	sld [smem:$0x3FAF]  }
0x29: {  	s4 =	sld [smem:$0x3FB1]  }
0x2a: {  	p0 =	seq.s32 s5, $0x0;
	s5 =	sld [smem:$0x3FB2]  }
0x2b: {  	s6 =	sld [smem:$0x3FB3]  }
0x2c: {  	s7 =	sld [smem:$0x3FB4]  }
0x2d: {  	s3 =	simm.s32 $0x108;
	s8 =	sld [smem:$0x3FB5]  }
0x2e: {  	s3 =	simm.s32 @!p0 $0x1082;
	s9 =	sld [smem:$0x3FB6]  }
0x2f: {  	lr =	sadd.s32 s0, s3;
	s0 =	sld [smem:$0x3FAD]  }
0x30: {  	s3 =	sld [smem:$0x3FB0]  }
0x31: {  	[smem:$0x3FB9] =	sst s10  }
0x32: {  	s10 =	sld [smem:$0x3FB7];
	_ =	sdelay $0x3  }
0x33: {  	p0 =	seq.s32 s10, $0x1;
	s10 =	sld [smem:$0x3FB9];
	_ =	sdelay $0x3  }
0x34: {  	[smem:$0x3FB9] =	sst s10  }
0x35: {  	s10 =	sld [smem:$0x3FB8];
	_ =	sdelay $0x3  }
0x36: {  	p1 =	seq.s32 s10, $0x1;
	s10 =	sld [smem:$0x3FB9];
	_ =	sdelay $0x3  }
0x37: {  	[smem:$0x3FB9] =	sst s10  }
0x38: {  	s10 =	sld [smem:$0x3FBA]  }
0x39: {  	_ = 	snop;
	(pc) =	sbr.ind lr, $3  }
0x3a: {  	_ = 	snop  }
0x3b: {  	_ = 	snop  }
0x3c: {  	p2 =	seq.s32 s10, $0x1;
	s10 =	sld [smem:$0x3FB9]  }
0x3d: {  	_ =	shalt  }
0x3e: {  	_ =	shalt  }
0x3f: {  	_ =	shalt  }
0x40: {  	_ =	shalt  }
0x41: {  	_ =	shalt  }
0x42: {  	_ =	shalt  }
0x43: {  	_ =	shalt  }
0x44: {  	_ =	shalt  }
0x45: {  	_ =	shalt  }
0x46: {  	_ =	shalt  }
0x47: {  	_ =	shalt  }
0x48: {  	_ =	shalt  }
0x49: {  	_ =	shalt  }
0x4a: {  	_ =	shalt  }
0x4b: {  	_ =	shalt  }
0x4c: {  	_ =	shalt  }
0x4d: {  	_ =	shalt  }
0x4e: {  	_ =	shalt  }
0x4f: {  	_ =	shalt  }
0x50: {  	_ =	shalt  }
0x51: {  	_ =	shalt  }
0x52: {  	_ =	shalt  }
0x53: {  	_ =	shalt  }
0x54: {  	_ =	shalt  }
0x55: {  	_ =	shalt  }
0x56: {  	_ =	shalt  }
0x57: {  	_ =	shalt  }
0x58: {  	_ =	shalt  }
0x59: {  	_ =	shalt  }
0x5a: {  	_ =	shalt  }
0x5b: {  	_ =	shalt  }
0x5c: {  	_ =	shalt  }
0x5d: {  	_ =	shalt  }
0x5e: {  	_ =	shalt  }
0x5f: {  	_ =	shalt  }
0x60: {  	_ =	shalt  }
0x61: {  	_ =	shalt  }
0x62: {  	_ =	shalt  }
0x63: {  	_ =	shalt  }
0x64: {  	_ =	shalt  }
0x65: {  	_ =	shalt  }
0x66: {  	_ =	shalt  }
0x67: {  	_ =	shalt  }
0x68: {  	_ =	shalt  }
0x69: {  	_ =	shalt  }
0x6a: {  	_ =	shalt  }
0x6b: {  	_ =	shalt  }
0x6c: {  	_ =	shalt  }
0x6d: {  	_ =	shalt  }
0x6e: {  	_ =	shalt  }
0x6f: {  	_ =	shalt  }
0x70: {  	_ =	shalt  }
0x71: {  	_ =	shalt  }
0x72: {  	_ =	shalt  }
0x73: {  	_ =	shalt  }
0x74: {  	_ =	shalt  }
0x75: {  	_ =	shalt  }
0x76: {  	_ =	shalt  }
0x77: {  	_ =	shalt  }
0x78: {  	_ =	shalt  }
0x79: {  	_ =	shalt  }
0x7a: {  	_ =	shalt  }
0x7b: {  	_ =	shalt  }
0x7c: {  	_ =	shalt  }
0x7d: {  	_ =	shalt  }
0x7e: {  	_ =	shalt  }
0x7f: {  	_ =	shalt  }
0x80: {  	_ =	shalt  }
0x81: {  	_ =	shalt  }
0x82: {  	_ =	shalt  }
0x83: {  	_ =	shalt  }
0x84: {  	_ =	shalt  }
0x85: {  	_ =	shalt  }
0x86: {  	_ =	shalt  }
0x87: {  	_ =	shalt  }
.Lfunc_end0:
.L_simem_size_0:
called_computation_lowered:
.L_overlay_start_0:
0x88: {  	s2 =	sld [smem:$0x3FD9]  }
0x89: {  	s3 =	sld [smem:$0x3FFE];
	_ =	sdelay $0x1  }
0x8a: {  	s1 =	srdreg.scid  }
0x8b: {  	s0 =	sand.u32 $0x1, s1  }
0x8c: {  	s17 =	sshll.u32 s0, $0xA;
	s2 =	sadd.s32 s3, s2  }
0x8d: {  	s2 =	sadd.s32 s2, s17  }
0x8e: {  	[smem:$0x3FC5] =	sst s2  }
0x8f: {  	_ = 	snop  }
0x90: {  	s2 =	sld [smem:$0x3FC9]  }
0x91: {  	s18 =	sld [smem:$0x3FD0];
	(tm) =	ssettm $0x1  }
0x92: {  	s4 =	sld [smem:$0x3FFB];
	_ =	sdelay $0x3  }
0x93: {  	_ =	strace s4  }
0x94: {  	s4 =	sld [smem:$0x3FFC];
	_ =	sdelay $0x3  }
0x95: {  	_ =	strace s4  }
0x96: {  	s4 =	sld [smem:$0x3FFD];
	_ =	sdelay $0x3  }
0x97: {  	_ =	strace s4  }
0x98: {  	_ =	strace $0x8FFFFFFF  }
0x99: {  	s19 =	sld [smem:$0x3FDB];
	_ =	sdelay $0x1  }
0x9a: {  	s5 =	simm.s32 $_scs_section_size  }
0x9b: {  	s6 =	simm.s32 $_size__tile_overlayer_lowered;
	s7 =	simm.s32 $_tile_overlayer_lowered  }
0x9c: {  	s22 =	simm.s32 $0x1BFF;
	s21 =	sshll.u32 s7, $0x1;
	s4 =	sadd.s32 s5, s19  }
0x9d: {  	s8 =	simm.s32 $0x0;
	s20 =	sshll.u32 s6, $0x1;
	s6 =	sadd.s32 s21, s4  }
0x9e: {  	[timem:s8], [sflag:s22] =	dma.local [hbm:s6], s20  }
0x9f: {  	_ =	swait.ge [sflag:s22], s20  }
0xa0: {  	s5 =	ssub.s32 $0x0, s20;
	[sflag:s22] =	ssyncset.done $0x0  }
0xa1: {  	[sflag:s22] =	ssyncadd.s32 s5;
	_ =	sdelay $0x1  }
0xa2: {  	s23 =	simm.s32 $0x1B8B  }
0xa3: {  	_ =	swait.ge [sflag:s23], $0x1  }
0xa4: {  	[sflag:s23] =	ssyncset.done $0x0  }
0xa5: {  	s25 =	simm.s32 $0x1B8E;
	s24 =	sld [smem:$0x3FFE];
	[sflag:s23] =	ssyncadd.s32 $0xFFFFFFFF  }
0xa6: {  	s26 =	simm.s32 $execute0_lowered;
	[smem:$0x3FD2] =	sst s25  }
0xa7: {  	s6 =	sshll.u32 s26, $0x1;
	_ =	strace $0x80000046;
	[dreg:$0x1] =	wrdreg $0xFFFFFFFF  }
0xa8: {  	s28 =	simm.s32 $_size_execute0_lowered;
	s4 =	sadd.s32 s4, s6;
	[dreg:$0x0] =	wrdreg $0x0  }
0xa9: {  	s6 =	sshll.u32 s28, $0x1;
	[dreg:$0x2] =	wrdreg s4  }
0xaa: {  	[dreg:$0x3] =	wrdreg s6  }
0xab: {  	[dreg:$0x4] =	wrdreg $0xC0  }
0xac: {  	_ =	task [dreg:s8], $0x5FFFF  }
0xad: {  	[dreg:$0x1] =	wrdreg $0xFFFFFFFF  }
0xae: {  	[dreg:$0x0] =	wrdreg $0x60  }
0xaf: {  	[dreg:$0x2] =	wrdreg s2  }
0xb0: {  	[dreg:$0x3] =	wrdreg s24  }
0xb1: {  	[dreg:$0x4] =	wrdreg s18  }
0xb2: {  	[dreg:$0x5] =	wrdreg $0x9  }
0xb3: {  	_ =	task.clear_ibuf [dreg:s8], $0x6FFFF;
	_ =	strace $0x90000046  }
0xb4: {  	s29 =	simm.s32 $0x9;
	_ =	strace $0x80000048  }
0xb5: {  	_ =	swait.ge [sflag:s29], $0x1  }
0xb6: {  	[sflag:s29] =	ssyncadd.s32 $0xFFFFFFFF  }
0xb7: {  	_ =	strace $0x90000048  }
0xb8: {  	_ =	sfence  }
0xb9: {  	s30 =	sld [smem:$0x0];
	_ =	sdelay $0x2  }
0xba: {  	s31 =	sshll.u32 s1, $0xD;
	s1 =	sshrl.u32 s1, $0x2  }
0xbb: {  	s3 =	sand.u32 $0x4000, s31;
	s1 =	sadd.s32 s1, s30  }
0xbc: {  	s0 =	sor.u32 s3, s0;
	s1 =	sshll.u32 s1, $0x11  }
0xbd: {  	s0 =	sor.u32 s1, s0  }
0xbe: {  	s0 =	sadd.s32 $0x8F2B, s0  }
0xbf: {  	[sflag:s0] =	ssyncadd.remote.s32 $0x1  }
0xc0: {  	_ =	sfence.sel $0xFFFF  }
0xc1: {  	[dreg:$0x0] =	wrdreg $0xFFFFFFFF;
	(pc) =	sbr.abs _section_cstart, $3  }
0xc2: {  	[dreg:$0x1] =	wrdreg $0xFFFFFFFF  }
0xc3: {  	_ =	task.clear_ibuf [dreg:s8], $0x2FFFF;
	_ =	strace $0x9FFFFFFF  }
0xc4: {  	(tm) =	ssettm $0x7FFFFFFF  }
0xc5: {  	_ =	shalt  }
tec
execute0_lowered:
.L_overlay_start_1:
0x0: {  	(tag) =	ssettag $0x1  }
0x1: {  	s0 =	rddreg [dreg:$0x0]  }
0x2: {  	s1 =	rddreg [dreg:$0x1]  }
0x3: {  	s2 =	rddreg [dreg:$0x2]  }
0x4: {  	s4 =	srdreg.scid;
	s3 =	simm.s32 $0x0;
	s5 =	stileid.u32  }
0x5: {  	s19 =	simm.s32 $0x1;
	s20 =	simm.s32 $0x80;
	s29 =	simm.s32 $0x12400  }
0x6: {  	s30 =	simm.s32 $0x13500;
	s31 =	simm.s32 $0x14600;
	s16 =	simm.s32 $0x9  }
0x7: {  	s17 =	simm.s32 $0x0;
	s4 =	sand.u32 $0x1, s4;
	[smem:$0x7FF] =	sst s3  }
0x8: {  	s5 =	sshll.u32 s5, $0xB;
	s10 =	sadd.s32 $0x3000, s2;
	s11 =	sadd.s32 $0x4000, s2  }
0x9: {  	s12 =	sadd.s32 $0x5000, s2;
	s13 =	sadd.s32 $0x6000, s2;
	s14 =	sadd.s32 $0x7000, s2  }
0xa: {  	s6 =	sshll.u32 s4, $0xA;
	_ =	strace $0x80000047;
	s7 =	ssub.s32 $0x2, s4  }
0xb: {  	s4 =	sor.u32 s6, s5;
	s5 =	sadd.s32 $0xF42A00, s1;
	s8 =	sshrl.u32 s7, $0x1  }
0xc: {  	s6 =	sadd.s32 $0x600, s1;
	s1 =	simm.s32 $0x8;
	s9 =	sshrl.u32 s4, $0x3  }
0xd: {  	v0 =	vlaneseq.u32;
	s28 =	ssub.s32 s7, s8;
	s8 =	sadd.s32 $0x1000, s2;
	s7 =	sadd.s32 s0, s9  }
0xe: {  	v0 =	vmul.u32 $0x88, v0;
	s9 =	sadd.s32 $0x2000, s2;
	s15 =	smax.u32 s28, $0x1;
	s0 =	simm.s32 $0x15700  }
.LBB2_1:
0xf: {  	s18 =	simm.s32 $0x16800  }
0x10: {  	[tilespmem:s18], [sflag:$0x1] =	stream.linear.gather [hbm4b:s6+s3], $0x3200, $0x38;
	[tilespmem:$0x19A00] =	vst v63  }
0x11: {  	s26 =	simm.s32 $0x400;
	s21 =	simm.s32 $0x8000  }
0x12: {  	[tilespmem:s3], [sflag:$0x1] =	stream.strided.gather [hbm4b:s7+s26], $0x6400, s21, s26, $0x38;
	[tilespmem:$0x19A00] =	vst v63  }
0x13: {  	_ =	swait.ge [sflag:s19], $0x3200  }
0x14: {  	[sflag:s19] =	ssyncset.done $0x0  }
0x15: {  	[sflag:s19] =	ssyncadd.s32 $0xFFFFCE00  }
0x16: {  	_ =	swait.ge [sflag:s19], $0x6400  }
0x17: {  	[sflag:s19] =	ssyncset.done $0x0  }
0x18: {  	s24 =	simm.s32 $0x6400;
	[sflag:s19] =	ssyncadd.s32 $0xFFFF9C00  }
0x19: {  	[tilespmem:s24], [sflag:$0x2] =	stream.indirect.gather [hbm4b:s5+s20], $0x40, s3, s20, $0xb8;
	[tilespmem:$0x19A00] =	vst v63  }
0x1a: {  	s28 =	simm.s32 $0x8400  }
0x1b: {  	[tilespmem:s28], [sflag:$0x3] =	stream.indirect.gather [hbm4b:s5+s20], $0x40, s20, s20, $0xb8;
	[tilespmem:$0x19A00] =	vst v63  }
0x1c: {  	s22 =	simm.s32 $0xA400;
	s21 =	simm.s32 $0x100  }
0x1d: {  	[tilespmem:s22], [sflag:$0x4] =	stream.indirect.gather [hbm4b:s5+s20], $0x40, s21, s20, $0xb8;
	[tilespmem:$0x19A00] =	vst v63  }
0x1e: {  	s23 =	simm.s32 $0x180;
	s25 =	simm.s32 $0xC400  }
0x1f: {  	[tilespmem:s25], [sflag:$0x5] =	stream.indirect.gather [hbm4b:s5+s20], $0x40, s23, s20, $0xb8;
	[tilespmem:$0x19A00] =	vst v63  }
0x20: {  	s26 =	simm.s32 $0x200;
	s28 =	simm.s32 $0xE400;
	s21 =	simm.s32 $0x0  }
0x21: {  	[tilespmem:s28], [sflag:$0x6] =	stream.indirect.gather [hbm4b:s5+s20], $0x40, s26, s20, $0xb8;
	[tilespmem:$0x19A00] =	vst v63  }
.LBB2_2:
0x22: {  	p0 =	sgt.u32 s21, $0xC2  }
0x23: {  	s18 =	sadd.s32 @!p0 $0x5, s21  }
0x24: {  	s22 =	smul.u32 @!p0 $0xAB, s18;
	_ =	sdelay $0x1  }
0x25: {  	s22 =	sshrl.u32 @!p0 s22, $0xA  }
0x26: {  	s23 =	smul.u32 $0xAB, s21;
	s22 =	sand.u32 @!p0 $0x3F, s22  }
0x27: {  	s22 =	smul.u32 @!p0 $0x6, s22;
	_ =	sdelay $0x1  }
0x28: {  	s23 =	sshrl.u32 s23, $0xA;
	s22 =	ssub.s32 @!p0 s18, s22  }
0x29: {  	s26 =	simm.s32 @!p0 $0x80;
	s23 =	sand.u32 $0x3F, s23;
	s22 =	sand.u32 @!p0 $0xFF, s22  }
0x2a: {  	s23 =	smul.u32 $0x6, s23;
	s18 =	sshll.u32 @!p0 s18, $0x7;
	s25 =	sshll.u32 @!p0 s22, $0xD  }
0x2b: {  	s18 =	sand.u32 @!p0 $0xFF80, s18;
	s22 =	sadd.s32 @!p0 $0x2, s22;
	s25 =	sadd.s32 @!p0 $0x6400, s25  }
0x2c: {  	[tilespmem:s25], [sflag:s22] =	stream.indirect.gather @!p0 [hbm4b:s5+s26], $0x40, s18, s26, $0xb8;
	[tilespmem:$0x19A00] =	vst v63  }
0x2d: {  	s25 =	ssub.s32 s21, s23  }
0x2e: {  	s18 =	sand.u32 $0xFF, s25  }
0x2f: {  	s18 =	sadd.s32 $0x2, s18  }
0x30: {  	_ =	swait.ge [sflag:s18], $0x2000  }
0x31: {  	s22 =	sand.u32 $0x1, s21;
	p0 =	slt.u32 s21, $0x2;
	[sflag:s18] =	ssyncset.done $0x0  }
0x32: {  	[sflag:s18] =	ssyncadd.s32 $0xFFFFE000;
	s18 =	sor.u32 @!p0 $0x8, s22  }
0x33: {  	_ =	swait.ge @!p0 [sflag:s18], $0x400  }
0x34: {  	[sflag:s18] =	ssyncset.done @!p0 $0x0  }
0x35: {  	[sflag:s18] =	ssyncadd.s32 @!p0 $0xFFFFFC00  }
0x36: {  	_ =	swait.ge @!p0 [sflag:s18], $0x400  }
0x37: {  	[sflag:s18] =	ssyncset.done @!p0 $0x0  }
0x38: {  	[sflag:s18] =	ssyncadd.s32 @!p0 $0xFFFFFC00  }
0x39: {  	_ =	swait.ge @!p0 [sflag:s18], $0x400  }
0x3a: {  	[sflag:s18] =	ssyncset.done @!p0 $0x0  }
0x3b: {  	[sflag:s18] =	ssyncadd.s32 @!p0 $0xFFFFFC00  }
0x3c: {  	_ =	swait.ge @!p0 [sflag:s18], $0x400  }
0x3d: {  	[sflag:s18] =	ssyncset.done @!p0 $0x0  }
0x3e: {  	[sflag:s18] =	ssyncadd.s32 @!p0 $0xFFFFFC00  }
0x3f: {  	_ =	swait.ge @!p0 [sflag:s18], $0x400  }
0x40: {  	[sflag:s18] =	ssyncset.done @!p0 $0x0  }
0x41: {  	[sflag:s18] =	ssyncadd.s32 @!p0 $0xFFFFFC00  }
0x42: {  	_ =	swait.ge @!p0 [sflag:s18], $0x400  }
0x43: {  	[sflag:s18] =	ssyncset.done @!p0 $0x0  }
0x44: {  	s26 =	smulhi.u32 $0xAAAAAAAB, s21;
	[sflag:s18] =	ssyncadd.s32 @!p0 $0xFFFFFC00  }
0x45: {  	_ =	swait.ge @!p0 [sflag:s18], $0x400  }
0x46: {  	s23 =	sshrl.u32 s26, $0x2;
	[sflag:s18] =	ssyncset.done @!p0 $0x0  }
0x47: {  	s23 =	smul.u32 $0xFFFD0000, s23;
	[sflag:s18] =	ssyncadd.s32 @!p0 $0xFFFFFC00  }
0x48: {  	_ =	swait.ge @!p0 [sflag:s18], $0x400  }
0x49: {  	s28 =	sshll.u32 s21, $0x6;
	s23 =	sshra.s32 s23, $0x2;
	[sflag:s18] =	ssyncset.done @!p0 $0x0  }
0x4a: {  	s28 =	sand.u32 $0x3FFFFFC0, s28;
	s26 =	sshll.u32 s22, $0x4;
	v2 =	vmov s23;
	[sflag:s18] =	ssyncadd.s32 @!p0 $0xFFFFFC00  }
0x4b: {  	v1 =	vmov s26;
	v10 =	vld [tilespmem:s28+$0x16800]  }
0x4c: {  	v1 =	vmul.u32 $0x88, v1;
	v4 =	vld [tilespmem:s28+$0x16810]  }
0x4d: {  	v3 =	vld [tilespmem:s28+$0x16820]  }
0x4e: {  	v5 =	vbroadcast v1, $0x0;
	v1 =	vld [tilespmem:s28+$0x16830]  }
0x4f: {  	v6 =	vld.idx.msk [tilespmem:v2+s24+$0x1C0 ss:$0x1], $0xffff  }
0x50: {  	v7 =	vld.idx.msk [tilespmem:v2+s24+$0x0 ss:$0x1], $0xffff  }
0x51: {  	v8 =	vimm.s32 $0x0;
	v12 =	vadd.s32 v0, v5;
	v11 =	vld.idx.msk [tilespmem:v2+s24+$0x180 ss:$0x1], $0xffff  }
0x52: {  	v5 =	vadd.s32 v8, v12;
	v15 =	vld.idx.msk [tilespmem:v2+s24+$0x140 ss:$0x1], $0xffff  }
0x53: {  	v9 =	vor.u32 $0x7, v5;
	v16 =	vld.idx.msk [tilespmem:v2+s24+$0x100 ss:$0x1], $0xffff  }
0x54: {  	v17 =	vld.idx.msk [tilespmem:v2+s24+$0x80 ss:$0x1], $0xffff  }
0x55: {  	v14 =	vor.u32 $0x6, v5;
	v18 =	vld.idx.msk [tilespmem:v2+s24+$0xC0 ss:$0x1], $0xffff  }
0x56: {  	s23 =	sadd.s32 $0x200, s24;
	v19 =	vor.u32 $0x5, v5;
	v20 =	vld.idx.msk [tilespmem:v2+s24+$0x40 ss:$0x1], $0xffff;
	v6 =	vadd.f32 v6, v10  }
0x57: {  	v13 =	vor.u32 $0x4, v5;
	v29 =	vld.idx.msk [tilespmem:v2+s23+$0x140 ss:$0x1], $0xffff;
	v7 =	vadd.f32 v7, v10  }
0x58: {  	v28 =	vld.idx.msk [tilespmem:v2+s23+$0x0 ss:$0x1], $0xffff;
	v21 =	vadd.f32 v11, v10;
	[tilespmem:v9+s29+$0x0] =	vst.idx.msk $0xffff, v6  }
0x59: {  	v15 =	vadd.f32 v15, v10;
	v11 =	vor.u32 $0x3, v5;
	[tilespmem:v5+s29+$0x0] =	vst.idx.msk $0xffff, v7;
	v22 =	vld.idx.msk [tilespmem:v2+s24+$0x1D0 ss:$0x1], $0xffff  }
0x5a: {  	v16 =	vadd.f32 v16, v10;
	v6 =	vor.u32 $0x2, v5;
	[tilespmem:v14+s29+$0x0] =	vst.idx.msk $0xffff, v21;
	v23 =	vld.idx.msk [tilespmem:v2+s24+$0x10 ss:$0x1], $0xffff  }
0x5b: {  	v7 =	vor.u32 $0x1, v5;
	[tilespmem:v19+s29+$0x0] =	vst.idx.msk $0xffff, v15;
	v15 =	vld.idx.msk [tilespmem:v2+s24+$0x190 ss:$0x1], $0xffff  }
0x5c: {  	v18 =	vadd.f32 v18, v10;
	[tilespmem:v13+s29+$0x0] =	vst.idx.msk $0xffff, v16;
	v21 =	vld.idx.msk [tilespmem:v2+s24+$0x150 ss:$0x1], $0xffff  }
0x5d: {  	v17 =	vadd.f32 v17, v10;
	v16 =	vadd.f32 v20, v10;
	v20 =	vld.idx.msk [tilespmem:v2+s24+$0x110 ss:$0x1], $0xffff  }
0x5e: {  	[tilespmem:v11+s29+$0x0] =	vst.idx.msk $0xffff, v18;
	v18 =	vld.idx.msk [tilespmem:v2+s23+$0x80 ss:$0x1], $0xffff  }
0x5f: {  	v24 =	vld.idx.msk [tilespmem:v2+s24+$0xD0 ss:$0x1], $0xffff;
	[tilespmem:v6+s29+$0x0] =	vst.idx.msk $0xffff, v17;
	v23 =	vadd.f32 v23, v4  }
0x60: {  	[tilespmem:v7+s29+$0x0] =	vst.idx.msk $0xffff, v16;
	v17 =	vld.idx.msk [tilespmem:v2+s24+$0x90 ss:$0x1], $0xffff;
	v15 =	vadd.f32 v15, v4  }
0x61: {  	v25 =	vld.idx.msk [tilespmem:v2+s24+$0x50 ss:$0x1], $0xffff;
	v16 =	vadd.f32 v21, v4;
	[tilespmem:v5+s30+$0x0] =	vst.idx.msk $0xffff, v23  }
0x62: {  	[tilespmem:v14+s30+$0x0] =	vst.idx.msk $0xffff, v15;
	v23 =	vld.idx.msk [tilespmem:v2+s23+$0x1C0 ss:$0x1], $0xffff  }
0x63: {  	v22 =	vadd.f32 v22, v4;
	[tilespmem:v19+s30+$0x0] =	vst.idx.msk $0xffff, v16;
	v15 =	vld.idx.msk [tilespmem:v2+s24+$0x1A0 ss:$0x1], $0xffff  }
0x64: {  	v16 =	vadd.f32 v20, v4;
	v20 =	vld.idx.msk [tilespmem:v2+s24+$0x160 ss:$0x1], $0xffff  }
0x65: {  	[tilespmem:v9+s30+$0x0] =	vst.idx.msk $0xffff, v22;
	v21 =	vld.idx.msk [tilespmem:v2+s24+$0x20 ss:$0x1], $0xffff;
	v17 =	vadd.f32 v17, v4  }
0x66: {  	v22 =	vld.idx.msk [tilespmem:v2+s23+$0x180 ss:$0x1], $0xffff;
	[tilespmem:v13+s30+$0x0] =	vst.idx.msk $0xffff, v16;
	v16 =	vadd.s32 $0x8, v8;
	v25 =	vadd.f32 v25, v4  }
0x67: {  	v24 =	vadd.f32 v24, v4;
	v8 =	vadd.s32 v16, v12;
	[tilespmem:v6+s30+$0x0] =	vst.idx.msk $0xffff, v17;
	v17 =	vld.idx.msk [tilespmem:v2+s24+$0x120 ss:$0x1], $0xffff  }
0x68: {  	[tilespmem:v7+s30+$0x0] =	vst.idx.msk $0xffff, v25;
	v25 =	vld.idx.msk [tilespmem:v2+s24+$0x1E0 ss:$0x1], $0xffff;
	v27 =	vadd.f32 v15, v3;
	v15 =	vor.u32 $0x7, v8  }
0x69: {  	[tilespmem:v11+s30+$0x0] =	vst.idx.msk $0xffff, v24;
	v24 =	vld.idx.msk [tilespmem:v2+s23+$0xC0 ss:$0x1], $0xffff;
	v20 =	vadd.f32 v20, v3  }
0x6a: {  	v26 =	vld.idx.msk [tilespmem:v2+s24+$0xA0 ss:$0x1], $0xffff;
	v21 =	vadd.f32 v21, v3;
	[tilespmem:v14+s31+$0x0] =	vst.idx.msk $0xffff, v27  }
0x6b: {  	v27 =	vld.idx.msk [tilespmem:v2+s24+$0x60 ss:$0x1], $0xffff;
	[tilespmem:v19+s31+$0x0] =	vst.idx.msk $0xffff, v20;
	v20 =	vadd.f32 v23, v10  }
0x6c: {  	[tilespmem:v5+s31+$0x0] =	vst.idx.msk $0xffff, v21;
	v23 =	vld.idx.msk [tilespmem:v2+s24+$0x170 ss:$0x1], $0xffff;
	v17 =	vadd.f32 v17, v3  }
0x6d: {  	v30 =	vld.idx.msk [tilespmem:v2+s24+$0x1B0 ss:$0x1], $0xffff;
	v21 =	vadd.f32 v25, v3;
	[tilespmem:v15+s29+$0x0] =	vst.idx.msk $0xffff, v20  }
0x6e: {  	v32 =	vld.idx.msk [tilespmem:v2+s24+$0xE0 ss:$0x1], $0xffff;
	v25 =	vadd.f32 v28, v10;
	[tilespmem:v13+s31+$0x0] =	vst.idx.msk $0xffff, v17  }
0x6f: {  	v20 =	vadd.f32 v26, v3;
	v26 =	vld.idx.msk [tilespmem:v2+s23+$0x100 ss:$0x1], $0xffff;
	[tilespmem:v9+s31+$0x0] =	vst.idx.msk $0xffff, v21  }
0x70: {  	v29 =	vadd.f32 v29, v10;
	[tilespmem:v8+s29+$0x0] =	vst.idx.msk $0xffff, v25;
	v25 =	vld.idx.msk [tilespmem:v2+s23+$0x40 ss:$0x1], $0xffff;
	v31 =	vadd.f32 v27, v3  }
0x71: {  	v28 =	vadd.f32 v22, v10;
	[tilespmem:v6+s31+$0x0] =	vst.idx.msk $0xffff, v20;
	v27 =	vld.idx.msk [tilespmem:v2+s24+$0x130 ss:$0x1], $0xffff;
	v33 =	vadd.f32 v23, v1  }
0x72: {  	v17 =	vor.u32 $0x4, v8;
	v22 =	vld.idx.msk [tilespmem:v2+s23+$0x10 ss:$0x1], $0xffff;
	[tilespmem:v7+s31+$0x0] =	vst.idx.msk $0xffff, v31;
	v31 =	vadd.f32 v30, v1  }
0x73: {  	s25 =	simm.s32 $0x8;
	s18 =	smov.u32 s24;
	v21 =	vor.u32 $0x6, v8;
	v20 =	vor.u32 $0x5, v8;
	v23 =	vld.idx.msk [tilespmem:v2+s23+$0x1D0 ss:$0x1], $0xffff;
	v30 =	vadd.f32 v32, v3;
	[tilespmem:v19+s0+$0x0] =	vst.idx.msk $0xffff, v33  }
.LBB2_3:
0x74: {  	s25 =	sadd.s32 $0x8, s25;
	v26 =	vadd.f32 v26, v10;
	v32 =	vld.idx.msk [tilespmem:v2+s18+$0x70 ss:$0x1], $0xffff;
	[tilespmem:v14+s0+$0x0] =	vst.idx.msk $0xffff, v31;
	v19 =	vmov v20;
	v14 =	vmov v21  }
0x75: {  	v31 =	vor.u32 $0x2, v8;
	v24 =	vadd.f32 v24, v10;
	v33 =	vor.u32 $0x3, v8;
	p0 =	slt.u32 s25, $0x78;
	[tilespmem:v11+s31+$0x0] =	vst.idx.msk $0xffff, v30;
	v30 =	vld.idx.msk [tilespmem:v2+s18+$0x1F0 ss:$0x1], $0xffff  }
0x76: {  	v18 =	vadd.f32 v18, v10;
	v27 =	vadd.f32 v27, v1;
	[tilespmem:v21+s29+$0x0] =	vst.idx.msk $0xffff, v28;
	v21 =	vld.idx.msk [tilespmem:v2+s18+$0xB0 ss:$0x1], $0xffff  }
0x77: {  	v25 =	vadd.f32 v25, v10;
	v28 =	vor.u32 $0x1, v8;
	[tilespmem:v20+s29+$0x0] =	vst.idx.msk $0xffff, v29;
	v20 =	vld.idx.msk [tilespmem:v2+s23+$0x190 ss:$0x1], $0xffff  }
0x78: {  	v29 =	vld.idx.msk [tilespmem:v2+s23+$0x150 ss:$0x1], $0xffff;
	[tilespmem:v13+s0+$0x0] =	vst.idx.msk $0xffff, v27;
	v13 =	vmov v17  }
0x79: {  	[tilespmem:v17+s29+$0x0] =	vst.idx.msk $0xffff, v26;
	v17 =	vadd.f32 v23, v4;
	v23 =	vld.idx.msk [tilespmem:v2+s18+$0xF0 ss:$0x1], $0xffff  }
0x7a: {  	v22 =	vadd.f32 v22, v4;
	[tilespmem:v33+s29+$0x0] =	vst.idx.msk $0xffff, v24;
	v24 =	vld.idx.msk [tilespmem:v2+s23+$0x110 ss:$0x1], $0xffff  }
0x7b: {  	[tilespmem:v31+s29+$0x0] =	vst.idx.msk $0xffff, v18;
	v26 =	vld.idx.msk [tilespmem:v2+s18+$0x30 ss:$0x1], $0xffff;
	v18 =	vadd.f32 v30, v1;
	s18 =	smov.u32 s23  }
0x7c: {  	v27 =	vadd.f32 v32, v1;
	s23 =	sadd.s32 $0x200, s23;
	[tilespmem:v28+s29+$0x0] =	vst.idx.msk $0xffff, v25;
	v25 =	vld.idx.msk [tilespmem:v2+s18+$0x90 ss:$0x1], $0xffff  }
0x7d: {  	v20 =	vadd.f32 v20, v4;
	v30 =	vld.idx.msk [tilespmem:v2+s18+$0xD0 ss:$0x1], $0xffff;
	[tilespmem:v15+s30+$0x0] =	vst.idx.msk $0xffff, v17  }
0x7e: {  	v29 =	vadd.f32 v29, v4;
	v17 =	vld.idx.msk [tilespmem:v2+s18+$0x50 ss:$0x1], $0xffff;
	[tilespmem:v9+s0+$0x0] =	vst.idx.msk $0xffff, v18;
	v9 =	vmov v15  }
0x7f: {  	v16 =	vadd.s32 $0x8, v16;
	v18 =	vld.idx.msk [tilespmem:v2+s23+$0x80 ss:$0x1], $0xffff;
	[tilespmem:v8+s30+$0x0] =	vst.idx.msk $0xffff, v22  }
0x80: {  	v15 =	vadd.f32 v23, v1;
	v22 =	vld.idx.msk [tilespmem:v2+s18+$0x20 ss:$0x1], $0xffff;
	[tilespmem:v14+s30+$0x0] =	vst.idx.msk $0xffff, v20  }
0x81: {  	v20 =	vadd.f32 v24, v4;
	[tilespmem:v19+s30+$0x0] =	vst.idx.msk $0xffff, v29;
	v23 =	vld.idx.msk [tilespmem:v2+s18+$0x1A0 ss:$0x1], $0xffff  }
0x82: {  	v26 =	vadd.f32 v26, v1;
	v24 =	vadd.f32 v25, v4;
	v25 =	vld.idx.msk [tilespmem:v2+s18+$0x160 ss:$0x1], $0xffff;
	[tilespmem:v11+s0+$0x0] =	vst.idx.msk $0xffff, v15  }
0x83: {  	v11 =	vmov v33;
	v29 =	vld.idx.msk [tilespmem:v2+s23+$0x140 ss:$0x1], $0xffff;
	[tilespmem:v13+s30+$0x0] =	vst.idx.msk $0xffff, v20  }
0x84: {  	v30 =	vadd.f32 v30, v4;
	v15 =	vadd.f32 v21, v1;
	v20 =	vld.idx.msk [tilespmem:v2+s23+$0x1C0 ss:$0x1], $0xffff;
	[tilespmem:v5+s0+$0x0] =	vst.idx.msk $0xffff, v26  }
0x85: {  	v5 =	vmov v8;
	[tilespmem:v31+s30+$0x0] =	vst.idx.msk $0xffff, v24;
	v21 =	vld.idx.msk [tilespmem:v2+s18+$0x120 ss:$0x1], $0xffff  }
0x86: {  	v24 =	vadd.f32 v17, v4;
	v26 =	vld.idx.msk [tilespmem:v2+s18+$0xA0 ss:$0x1], $0xffff;
	[tilespmem:v7+s0+$0x0] =	vst.idx.msk $0xffff, v27;
	v7 =	vmov v28  }
0x87: {  	v8 =	vadd.s32 v16, v12;
	v23 =	vadd.f32 v23, v3;
	v32 =	vld.idx.msk [tilespmem:v2+s23+$0x180 ss:$0x1], $0xffff;
	[tilespmem:v6+s0+$0x0] =	vst.idx.msk $0xffff, v15  }
0x88: {  	v17 =	vor.u32 $0x4, v8;
	v15 =	vor.u32 $0x7, v8;
	[tilespmem:v28+s30+$0x0] =	vst.idx.msk $0xffff, v24;
	v24 =	vadd.f32 v25, v3;
	v25 =	vld.idx.msk [tilespmem:v2+s18+$0x1E0 ss:$0x1], $0xffff  }
0x89: {  	v22 =	vadd.f32 v22, v3;
	v6 =	vmov v31;
	v27 =	vld.idx.msk [tilespmem:v2+s23+$0x0 ss:$0x1], $0xffff;
	[tilespmem:v14+s31+$0x0] =	vst.idx.msk $0xffff, v23  }
0x8a: {  	v23 =	vld.idx.msk [tilespmem:v2+s18+$0x60 ss:$0x1], $0xffff;
	[tilespmem:v19+s31+$0x0] =	vst.idx.msk $0xffff, v24  }
0x8b: {  	v20 =	vadd.f32 v20, v10;
	[tilespmem:v5+s31+$0x0] =	vst.idx.msk $0xffff, v22;
	v22 =	vld.idx.msk [tilespmem:v2+s18+$0x170 ss:$0x1], $0xffff  }
0x8c: {  	v21 =	vadd.f32 v21, v3;
	[tilespmem:v33+s30+$0x0] =	vst.idx.msk $0xffff, v30;
	v30 =	vld.idx.msk [tilespmem:v2+s18+$0x1B0 ss:$0x1], $0xffff  }
0x8d: {  	[tilespmem:v15+s29+$0x0] =	vst.idx.msk $0xffff, v20;
	v20 =	vadd.f32 v26, v3;
	v33 =	vld.idx.msk [tilespmem:v2+s18+$0xE0 ss:$0x1], $0xffff  }
0x8e: {  	v26 =	vld.idx.msk [tilespmem:v2+s23+$0x100 ss:$0x1], $0xffff;
	[tilespmem:v13+s31+$0x0] =	vst.idx.msk $0xffff, v21;
	v21 =	vadd.f32 v25, v3  }
.Ltmp0:
0x8f: {  	v25 =	vadd.f32 v27, v10;
	v24 =	vld.idx.msk [tilespmem:v2+s23+$0xC0 ss:$0x1], $0xffff;
	[tilespmem:v31+s31+$0x0] =	vst.idx.msk $0xffff, v20;
	(pc) =	sbr.rel @p0 .LBB2_3-.Ltmp0, $4  }
0x90: {  	v31 =	vadd.f32 v23, v3;
	v27 =	vld.idx.msk [tilespmem:v2+s18+$0x130 ss:$0x1], $0xffff;
	[tilespmem:v9+s31+$0x0] =	vst.idx.msk $0xffff, v21  }
0x91: {  	v20 =	vor.u32 $0x5, v8;
	v21 =	vor.u32 $0x6, v8;
	v34 =	vadd.f32 v22, v1;
	[tilespmem:v8+s29+$0x0] =	vst.idx.msk $0xffff, v25;
	v25 =	vld.idx.msk [tilespmem:v2+s23+$0x40 ss:$0x1], $0xffff  }
0x92: {  	v28 =	vadd.f32 v32, v10;
	v23 =	vld.idx.msk [tilespmem:v2+s23+$0x1D0 ss:$0x1], $0xffff;
	[tilespmem:v7+s31+$0x0] =	vst.idx.msk $0xffff, v31;
	v31 =	vadd.f32 v30, v1  }
0x93: {  	v29 =	vadd.f32 v29, v10;
	v30 =	vadd.f32 v33, v3;
	v22 =	vld.idx.msk [tilespmem:v2+s23+$0x10 ss:$0x1], $0xffff;
	[tilespmem:v19+s0+$0x0] =	vst.idx.msk $0xffff, v34  }
0x94: {  	_ =	sdelay $0x3  }
0x95: {  	[tilespmem:v14+s0+$0x0] =	vst.idx.msk $0xffff, v31  }
0x96: {  	v12 =	vor.u32 $0x3, v8;
	[tilespmem:v21+s29+$0x0] =	vst.idx.msk $0xffff, v28  }
0x97: {  	v14 =	vor.u32 $0x2, v8;
	v19 =	vadd.f32 v26, v10;
	[tilespmem:v11+s31+$0x0] =	vst.idx.msk $0xffff, v30  }
0x98: {  	v16 =	vadd.f32 v27, v1;
	[tilespmem:v20+s29+$0x0] =	vst.idx.msk $0xffff, v29  }
0x99: {  	v58 =	vld.idx.msk [tilespmem:v2+s18+$0x1F0 ss:$0x1], $0xffff;
	v24 =	vadd.f32 v24, v10;
	v27 =	vor.u32 $0x1, v8;
	[tilespmem:v17+s29+$0x0] =	vst.idx.msk $0xffff, v19  }
0x9a: {  	v59 =	vadd.f32 v18, v10;
	v32 =	vld.idx.msk [tilespmem:v2+s18+$0x30 ss:$0x1], $0xffff;
	[tilespmem:v13+s0+$0x0] =	vst.idx.msk $0xffff, v16  }
0x9b: {  	v38 =	vld.idx.msk [tilespmem:v2+s18+$0xB0 ss:$0x1], $0xffff;
	v63 =	vadd.f32 v23, v4;
	[tilespmem:v12+s29+$0x0] =	vst.idx.msk $0xffff, v24  }
0x9c: {  	v60 =	vld.idx.msk [tilespmem:v2+s23+$0x190 ss:$0x1], $0xffff;
	v61 =	vadd.f32 v25, v10;
	[tilespmem:v14+s29+$0x0] =	vst.idx.msk $0xffff, v59  }
0x9d: {  	v62 =	vld.idx.msk [tilespmem:v2+s23+$0x150 ss:$0x1], $0xffff;
	v31 =	vadd.f32 v22, v4;
	[tilespmem:v15+s30+$0x0] =	vst.idx.msk $0xffff, v63  }
0x9e: {  	v28 =	vld.idx.msk [tilespmem:v2+s18+$0xF0 ss:$0x1], $0xffff;
	v30 =	vadd.f32 v58, v1;
	[tilespmem:v27+s29+$0x0] =	vst.idx.msk $0xffff, v61  }
0x9f: {  	v29 =	vld.idx.msk [tilespmem:v2+s23+$0x110 ss:$0x1], $0xffff;
	v22 =	vadd.f32 v32, v1;
	[tilespmem:v8+s30+$0x0] =	vst.idx.msk $0xffff, v31  }
0xa0: {  	v46 =	vadd.f32 v38, v1;
	v34 =	vld.idx.msk [tilespmem:v2+s23+$0xD0 ss:$0x1], $0xffff;
	[tilespmem:v9+s0+$0x0] =	vst.idx.msk $0xffff, v30  }
0xa1: {  	v16 =	vadd.f32 v60, v4;
	v37 =	vld.idx.msk [tilespmem:v2+s23+$0x50 ss:$0x1], $0xffff;
	[tilespmem:v5+s0+$0x0] =	vst.idx.msk $0xffff, v22  }
0xa2: {  	v33 =	vld.idx.msk [tilespmem:v2+s23+$0x90 ss:$0x1], $0xffff;
	v18 =	vadd.f32 v62, v4;
	[tilespmem:v6+s0+$0x0] =	vst.idx.msk $0xffff, v46  }
0xa3: {  	v45 =	vld.idx.msk [tilespmem:v2+s23+$0x1E0 ss:$0x1], $0xffff;
	v36 =	vadd.f32 v28, v1;
	[tilespmem:v21+s30+$0x0] =	vst.idx.msk $0xffff, v16  }
0xa4: {  	v13 =	vadd.f32 v29, v4;
	[tilespmem:v20+s30+$0x0] =	vst.idx.msk $0xffff, v18;
	v41 =	vld.idx.msk [tilespmem:v2+s23+$0x1A0 ss:$0x1], $0xffff  }
0xa5: {  	[tilespmem:v11+s0+$0x0] =	vst.idx.msk $0xffff, v36;
	v40 =	vld.idx.msk [tilespmem:v2+s23+$0x160 ss:$0x1], $0xffff;
	v9 =	vadd.f32 v34, v4  }
0xa6: {  	v48 =	vld.idx.msk [tilespmem:v2+s23+$0x20 ss:$0x1], $0xffff;
	[tilespmem:v17+s30+$0x0] =	vst.idx.msk $0xffff, v13;
	v44 =	vadd.f32 v37, v4  }
0xa7: {  	v39 =	vadd.f32 v33, v4;
	v43 =	vld.idx.msk [tilespmem:v2+s23+$0x120 ss:$0x1], $0xffff;
	[tilespmem:v12+s30+$0x0] =	vst.idx.msk $0xffff, v9  }
0xa8: {  	v11 =	vadd.f32 v45, v3;
	v47 =	vld.idx.msk [tilespmem:v2+s23+$0xE0 ss:$0x1], $0xffff;
	[tilespmem:v27+s30+$0x0] =	vst.idx.msk $0xffff, v44  }
0xa9: {  	[tilespmem:v14+s30+$0x0] =	vst.idx.msk $0xffff, v39;
	v13 =	vadd.f32 v41, v3;
	v50 =	vld.idx.msk [tilespmem:v2+s23+$0x60 ss:$0x1], $0xffff  }
0xaa: {  	[tilespmem:v15+s31+$0x0] =	vst.idx.msk $0xffff, v11;
	v51 =	vld.idx.msk [tilespmem:v2+s23+$0xA0 ss:$0x1], $0xffff;
	v49 =	vadd.f32 v40, v3  }
0xab: {  	v35 =	vld.idx.msk [tilespmem:v2+s18+$0x70 ss:$0x1], $0xffff;
	v55 =	vadd.f32 v48, v3;
	[tilespmem:v21+s31+$0x0] =	vst.idx.msk $0xffff, v13  }
0xac: {  	v52 =	vadd.f32 v43, v3;
	[tilespmem:v20+s31+$0x0] =	vst.idx.msk $0xffff, v49;
	v13 =	vld.idx.msk [tilespmem:v2+s23+$0x1B0 ss:$0x1], $0xffff  }
0xad: {  	[tilespmem:v8+s31+$0x0] =	vst.idx.msk $0xffff, v55;
	v53 =	vld.idx.msk [tilespmem:v2+s23+$0x170 ss:$0x1], $0xffff;
	v54 =	vadd.f32 v47, v3  }
0xae: {  	v57 =	vld.idx.msk [tilespmem:v2+s23+$0x1F0 ss:$0x1], $0xffff;
	[tilespmem:v17+s31+$0x0] =	vst.idx.msk $0xffff, v52;
	v6 =	vadd.f32 v50, v3  }
0xaf: {  	v56 =	vld.idx.msk [tilespmem:v2+s23+$0x130 ss:$0x1], $0xffff;
	v3 =	vadd.f32 v51, v3;
	[tilespmem:v12+s31+$0x0] =	vst.idx.msk $0xffff, v54  }
0xb0: {  	v42 =	vadd.f32 v35, v1;
	v60 =	vld.idx.msk [tilespmem:v2+s23+$0x30 ss:$0x1], $0xffff;
	[tilespmem:v27+s31+$0x0] =	vst.idx.msk $0xffff, v6  }
0xb1: {  	v58 =	vld.idx.msk [tilespmem:v2+s23+$0xF0 ss:$0x1], $0xffff;
	[tilespmem:v14+s31+$0x0] =	vst.idx.msk $0xffff, v3;
	v3 =	vadd.f32 v13, v1  }
0xb2: {  	[tilespmem:v7+s0+$0x0] =	vst.idx.msk $0xffff, v42;
	v59 =	vadd.f32 v53, v1;
	v61 =	vld.idx.msk [tilespmem:v2+s23+$0x70 ss:$0x1], $0xffff  }
0xb3: {  	v2 =	vld.idx.msk [tilespmem:v2+s23+$0xB0 ss:$0x1], $0xffff;
	[tilespmem:v21+s0+$0x0] =	vst.idx.msk $0xffff, v3;
	v3 =	vadd.f32 v57, v1  }
0xb4: {  	v7 =	vadd.f32 v56, v1;
	[tilespmem:v20+s0+$0x0] =	vst.idx.msk $0xffff, v59  }
0xb5: {  	[tilespmem:v15+s0+$0x0] =	vst.idx.msk $0xffff, v3;
	v3 =	vadd.f32 v60, v1  }
0xb6: {  	[tilespmem:v17+s0+$0x0] =	vst.idx.msk $0xffff, v7;
	v62 =	vadd.f32 v58, v1  }
0xb7: {  	s26 =	sshll.u32 s21, $0x12;
	v63 =	vadd.f32 v61, v1;
	[tilespmem:v8+s0+$0x0] =	vst.idx.msk $0xffff, v3  }
0xb8: {  	s18 =	sor.u32 s4, s26;
	s23 =	smul.u32 $0x880, s22;
	v1 =	vadd.f32 v2, v1;
	[tilespmem:v12+s0+$0x0] =	vst.idx.msk $0xffff, v62  }
0xb9: {  	s18 =	sshrl.u32 s18, $0x3;
	[tilespmem:v27+s0+$0x0] =	vst.idx.msk $0xffff, v63  }
0xba: {  	s25 =	sadd.s32 s2, s18;
	s22 =	sor.u32 $0x8, s22;
	s26 =	sadd.s32 $0x12400, s23;
	[tilespmem:v14+s0+$0x0] =	vst.idx.msk $0xffff, v1  }
0xbb: {  	[hbm4b:s25+s3] =	stream.linear.scatter [tilespmem:s26], [sflag:s22], $0x80, $0x38;
	[tilespmem:$0x19A00] =	vst v63  }
0xbc: {  	s28 =	sadd.s32 $0x10, s25;
	s26 =	sadd.s32 $0x12488, s23  }
0xbd: {  	[hbm4b:s28+s3] =	stream.linear.scatter [tilespmem:s26], [sflag:s22], $0x80, $0x38;
	[tilespmem:$0x19A00] =	vst v63  }
0xbe: {  	s26 =	sadd.s32 $0x12510, s23;
	s28 =	sadd.s32 $0x20, s25  }
0xbf: {  	[hbm4b:s28+s3] =	stream.linear.scatter [tilespmem:s26], [sflag:s22], $0x80, $0x38;
	[tilespmem:$0x19A00] =	vst v63  }
0xc0: {  	s26 =	sadd.s32 $0x12598, s23;
	s28 =	sadd.s32 $0x30, s25  }
0xc1: {  	[hbm4b:s28+s3] =	stream.linear.scatter [tilespmem:s26], [sflag:s22], $0x80, $0x38;
	[tilespmem:$0x19A00] =	vst v63  }
0xc2: {  	s26 =	sadd.s32 $0x12620, s23;
	s28 =	sadd.s32 $0x40, s25  }
0xc3: {  	[hbm4b:s28+s3] =	stream.linear.scatter [tilespmem:s26], [sflag:s22], $0x80, $0x38;
	[tilespmem:$0x19A00] =	vst v63  }
0xc4: {  	s26 =	sadd.s32 $0x126A8, s23;
	s28 =	sadd.s32 $0x50, s25  }
0xc5: {  	[hbm4b:s28+s3] =	stream.linear.scatter [tilespmem:s26], [sflag:s22], $0x80, $0x38;
	[tilespmem:$0x19A00] =	vst v63  }
0xc6: {  	s26 =	sadd.s32 $0x12730, s23;
	s28 =	sadd.s32 $0x60, s25  }
0xc7: {  	[hbm4b:s28+s3] =	stream.linear.scatter [tilespmem:s26], [sflag:s22], $0x80, $0x38;
	[tilespmem:$0x19A00] =	vst v63  }
0xc8: {  	s25 =	sadd.s32 $0x70, s25;
	s28 =	sadd.s32 $0x127B8, s23  }
0xc9: {  	[hbm4b:s25+s3] =	stream.linear.scatter [tilespmem:s28], [sflag:s22], $0x80, $0x38;
	[tilespmem:$0x19A00] =	vst v63  }
0xca: {  	s25 =	sadd.s32 s18, s8;
	s28 =	sadd.s32 $0x12840, s23  }
0xcb: {  	[hbm4b:s25+s3] =	stream.linear.scatter [tilespmem:s28], [sflag:s22], $0x80, $0x38;
	[tilespmem:$0x19A00] =	vst v63  }
0xcc: {  	s26 =	sadd.s32 $0x128C8, s23;
	s28 =	sadd.s32 $0x10, s25  }
0xcd: {  	[hbm4b:s28+s3] =	stream.linear.scatter [tilespmem:s26], [sflag:s22], $0x80, $0x38;
	[tilespmem:$0x19A00] =	vst v63  }
0xce: {  	s26 =	sadd.s32 $0x12950, s23;
	s28 =	sadd.s32 $0x20, s25  }
0xcf: {  	[hbm4b:s28+s3] =	stream.linear.scatter [tilespmem:s26], [sflag:s22], $0x80, $0x38;
	[tilespmem:$0x19A00] =	vst v63  }
0xd0: {  	s26 =	sadd.s32 $0x129D8, s23;
	s28 =	sadd.s32 $0x30, s25  }
0xd1: {  	[hbm4b:s28+s3] =	stream.linear.scatter [tilespmem:s26], [sflag:s22], $0x80, $0x38;
	[tilespmem:$0x19A00] =	vst v63  }
0xd2: {  	s26 =	sadd.s32 $0x12A60, s23;
	s28 =	sadd.s32 $0x40, s25  }
0xd3: {  	[hbm4b:s28+s3] =	stream.linear.scatter [tilespmem:s26], [sflag:s22], $0x80, $0x38;
	[tilespmem:$0x19A00] =	vst v63  }
0xd4: {  	s26 =	sadd.s32 $0x12AE8, s23;
	s28 =	sadd.s32 $0x50, s25  }
0xd5: {  	[hbm4b:s28+s3] =	stream.linear.scatter [tilespmem:s26], [sflag:s22], $0x80, $0x38;
	[tilespmem:$0x19A00] =	vst v63  }
0xd6: {  	s26 =	sadd.s32 $0x12B70, s23;
	s28 =	sadd.s32 $0x60, s25  }
0xd7: {  	[hbm4b:s28+s3] =	stream.linear.scatter [tilespmem:s26], [sflag:s22], $0x80, $0x38;
	[tilespmem:$0x19A00] =	vst v63  }
0xd8: {  	s25 =	sadd.s32 $0x70, s25;
	s28 =	sadd.s32 $0x12BF8, s23  }
0xd9: {  	[hbm4b:s25+s3] =	stream.linear.scatter [tilespmem:s28], [sflag:s22], $0x80, $0x38;
	[tilespmem:$0x19A00] =	vst v63  }
0xda: {  	s25 =	sadd.s32 s18, s9;
	s28 =	sadd.s32 $0x13500, s23  }
0xdb: {  	[hbm4b:s25+s3] =	stream.linear.scatter [tilespmem:s28], [sflag:s22], $0x80, $0x38;
	[tilespmem:$0x19A00] =	vst v63  }
0xdc: {  	s26 =	sadd.s32 $0x13588, s23;
	s28 =	sadd.s32 $0x10, s25  }
0xdd: {  	[hbm4b:s28+s3] =	stream.linear.scatter [tilespmem:s26], [sflag:s22], $0x80, $0x38;
	[tilespmem:$0x19A00] =	vst v63  }
0xde: {  	s26 =	sadd.s32 $0x13610, s23;
	s28 =	sadd.s32 $0x20, s25  }
0xdf: {  	[hbm4b:s28+s3] =	stream.linear.scatter [tilespmem:s26], [sflag:s22], $0x80, $0x38;
	[tilespmem:$0x19A00] =	vst v63  }
0xe0: {  	s26 =	sadd.s32 $0x13698, s23;
	s28 =	sadd.s32 $0x30, s25  }
0xe1: {  	[hbm4b:s28+s3] =	stream.linear.scatter [tilespmem:s26], [sflag:s22], $0x80, $0x38;
	[tilespmem:$0x19A00] =	vst v63  }
0xe2: {  	s26 =	sadd.s32 $0x13720, s23;
	s28 =	sadd.s32 $0x40, s25  }
0xe3: {  	[hbm4b:s28+s3] =	stream.linear.scatter [tilespmem:s26], [sflag:s22], $0x80, $0x38;
	[tilespmem:$0x19A00] =	vst v63  }
0xe4: {  	s26 =	sadd.s32 $0x137A8, s23;
	s28 =	sadd.s32 $0x50, s25  }
0xe5: {  	[hbm4b:s28+s3] =	stream.linear.scatter [tilespmem:s26], [sflag:s22], $0x80, $0x38;
	[tilespmem:$0x19A00] =	vst v63  }
0xe6: {  	s26 =	sadd.s32 $0x13830, s23;
	s28 =	sadd.s32 $0x60, s25  }
0xe7: {  	[hbm4b:s28+s3] =	stream.linear.scatter [tilespmem:s26], [sflag:s22], $0x80, $0x38;
	[tilespmem:$0x19A00] =	vst v63  }
0xe8: {  	s25 =	sadd.s32 $0x70, s25;
	s28 =	sadd.s32 $0x138B8, s23  }
0xe9: {  	[hbm4b:s25+s3] =	stream.linear.scatter [tilespmem:s28], [sflag:s22], $0x80, $0x38;
	[tilespmem:$0x19A00] =	vst v63  }
0xea: {  	s25 =	sadd.s32 s18, s10;
	s28 =	sadd.s32 $0x13940, s23  }
0xeb: {  	[hbm4b:s25+s3] =	stream.linear.scatter [tilespmem:s28], [sflag:s22], $0x80, $0x38;
	[tilespmem:$0x19A00] =	vst v63  }
0xec: {  	s26 =	sadd.s32 $0x139C8, s23;
	s28 =	sadd.s32 $0x10, s25  }
0xed: {  	[hbm4b:s28+s3] =	stream.linear.scatter [tilespmem:s26], [sflag:s22], $0x80, $0x38;
	[tilespmem:$0x19A00] =	vst v63  }
0xee: {  	s26 =	sadd.s32 $0x13A50, s23;
	s28 =	sadd.s32 $0x20, s25  }
0xef: {  	[hbm4b:s28+s3] =	stream.linear.scatter [tilespmem:s26], [sflag:s22], $0x80, $0x38;
	[tilespmem:$0x19A00] =	vst v63  }
0xf0: {  	s26 =	sadd.s32 $0x13AD8, s23;
	s28 =	sadd.s32 $0x30, s25  }
0xf1: {  	[hbm4b:s28+s3] =	stream.linear.scatter [tilespmem:s26], [sflag:s22], $0x80, $0x38;
	[tilespmem:$0x19A00] =	vst v63  }
0xf2: {  	s26 =	sadd.s32 $0x13B60, s23;
	s28 =	sadd.s32 $0x40, s25  }
0xf3: {  	[hbm4b:s28+s3] =	stream.linear.scatter [tilespmem:s26], [sflag:s22], $0x80, $0x38;
	[tilespmem:$0x19A00] =	vst v63  }
0xf4: {  	s26 =	sadd.s32 $0x13BE8, s23;
	s28 =	sadd.s32 $0x50, s25  }
0xf5: {  	[hbm4b:s28+s3] =	stream.linear.scatter [tilespmem:s26], [sflag:s22], $0x80, $0x38;
	[tilespmem:$0x19A00] =	vst v63  }
0xf6: {  	s26 =	sadd.s32 $0x13C70, s23;
	s28 =	sadd.s32 $0x60, s25  }
0xf7: {  	[hbm4b:s28+s3] =	stream.linear.scatter [tilespmem:s26], [sflag:s22], $0x80, $0x38;
	[tilespmem:$0x19A00] =	vst v63  }
0xf8: {  	s25 =	sadd.s32 $0x70, s25;
	s28 =	sadd.s32 $0x13CF8, s23  }
0xf9: {  	[hbm4b:s25+s3] =	stream.linear.scatter [tilespmem:s28], [sflag:s22], $0x80, $0x38;
	[tilespmem:$0x19A00] =	vst v63  }
0xfa: {  	s25 =	sadd.s32 s18, s11;
	s28 =	sadd.s32 $0x14600, s23  }
0xfb: {  	[hbm4b:s25+s3] =	stream.linear.scatter [tilespmem:s28], [sflag:s22], $0x80, $0x38;
	[tilespmem:$0x19A00] =	vst v63  }
0xfc: {  	s26 =	sadd.s32 $0x14688, s23;
	s28 =	sadd.s32 $0x10, s25  }
0xfd: {  	[hbm4b:s28+s3] =	stream.linear.scatter [tilespmem:s26], [sflag:s22], $0x80, $0x38;
	[tilespmem:$0x19A00] =	vst v63  }
0xfe: {  	s26 =	sadd.s32 $0x14710, s23;
	s28 =	sadd.s32 $0x20, s25  }
0xff: {  	[hbm4b:s28+s3] =	stream.linear.scatter [tilespmem:s26], [sflag:s22], $0x80, $0x38;
	[tilespmem:$0x19A00] =	vst v63  }
0x100: {  	s26 =	sadd.s32 $0x14798, s23;
	s28 =	sadd.s32 $0x30, s25  }
0x101: {  	[hbm4b:s28+s3] =	stream.linear.scatter [tilespmem:s26], [sflag:s22], $0x80, $0x38;
	[tilespmem:$0x19A00] =	vst v63  }
0x102: {  	s26 =	sadd.s32 $0x14820, s23;
	s28 =	sadd.s32 $0x40, s25  }
0x103: {  	[hbm4b:s28+s3] =	stream.linear.scatter [tilespmem:s26], [sflag:s22], $0x80, $0x38;
	[tilespmem:$0x19A00] =	vst v63  }
0x104: {  	s26 =	sadd.s32 $0x148A8, s23;
	s28 =	sadd.s32 $0x50, s25  }
0x105: {  	[hbm4b:s28+s3] =	stream.linear.scatter [tilespmem:s26], [sflag:s22], $0x80, $0x38;
	[tilespmem:$0x19A00] =	vst v63  }
0x106: {  	s26 =	sadd.s32 $0x14930, s23;
	s28 =	sadd.s32 $0x60, s25  }
0x107: {  	[hbm4b:s28+s3] =	stream.linear.scatter [tilespmem:s26], [sflag:s22], $0x80, $0x38;
	[tilespmem:$0x19A00] =	vst v63  }
0x108: {  	s25 =	sadd.s32 $0x70, s25;
	s28 =	sadd.s32 $0x149B8, s23  }
0x109: {  	[hbm4b:s25+s3] =	stream.linear.scatter [tilespmem:s28], [sflag:s22], $0x80, $0x38;
	[tilespmem:$0x19A00] =	vst v63  }
0x10a: {  	s25 =	sadd.s32 s18, s12;
	s28 =	sadd.s32 $0x14A40, s23  }
0x10b: {  	[hbm4b:s25+s3] =	stream.linear.scatter [tilespmem:s28], [sflag:s22], $0x80, $0x38;
	[tilespmem:$0x19A00] =	vst v63  }
0x10c: {  	s26 =	sadd.s32 $0x14AC8, s23;
	s28 =	sadd.s32 $0x10, s25  }
0x10d: {  	[hbm4b:s28+s3] =	stream.linear.scatter [tilespmem:s26], [sflag:s22], $0x80, $0x38;
	[tilespmem:$0x19A00] =	vst v63  }
0x10e: {  	s26 =	sadd.s32 $0x14B50, s23;
	s28 =	sadd.s32 $0x20, s25  }
0x10f: {  	[hbm4b:s28+s3] =	stream.linear.scatter [tilespmem:s26], [sflag:s22], $0x80, $0x38;
	[tilespmem:$0x19A00] =	vst v63  }
0x110: {  	s26 =	sadd.s32 $0x14BD8, s23;
	s28 =	sadd.s32 $0x30, s25  }
0x111: {  	[hbm4b:s28+s3] =	stream.linear.scatter [tilespmem:s26], [sflag:s22], $0x80, $0x38;
	[tilespmem:$0x19A00] =	vst v63  }
0x112: {  	s26 =	sadd.s32 $0x14C60, s23;
	s28 =	sadd.s32 $0x40, s25  }
0x113: {  	[hbm4b:s28+s3] =	stream.linear.scatter [tilespmem:s26], [sflag:s22], $0x80, $0x38;
	[tilespmem:$0x19A00] =	vst v63  }
0x114: {  	s26 =	sadd.s32 $0x14CE8, s23;
	s28 =	sadd.s32 $0x50, s25  }
0x115: {  	[hbm4b:s28+s3] =	stream.linear.scatter [tilespmem:s26], [sflag:s22], $0x80, $0x38;
	[tilespmem:$0x19A00] =	vst v63  }
0x116: {  	s26 =	sadd.s32 $0x14D70, s23;
	s28 =	sadd.s32 $0x60, s25  }
0x117: {  	[hbm4b:s28+s3] =	stream.linear.scatter [tilespmem:s26], [sflag:s22], $0x80, $0x38;
	[tilespmem:$0x19A00] =	vst v63  }
0x118: {  	s25 =	sadd.s32 $0x70, s25;
	s28 =	sadd.s32 $0x14DF8, s23  }
0x119: {  	[hbm4b:s25+s3] =	stream.linear.scatter [tilespmem:s28], [sflag:s22], $0x80, $0x38;
	[tilespmem:$0x19A00] =	vst v63  }
0x11a: {  	s25 =	sadd.s32 s18, s13;
	s28 =	sadd.s32 $0x15700, s23  }
0x11b: {  	[hbm4b:s25+s3] =	stream.linear.scatter [tilespmem:s28], [sflag:s22], $0x80, $0x38;
	[tilespmem:$0x19A00] =	vst v63  }
0x11c: {  	s26 =	sadd.s32 $0x15788, s23;
	s28 =	sadd.s32 $0x10, s25  }
0x11d: {  	[hbm4b:s28+s3] =	stream.linear.scatter [tilespmem:s26], [sflag:s22], $0x80, $0x38;
	[tilespmem:$0x19A00] =	vst v63  }
0x11e: {  	s26 =	sadd.s32 $0x15810, s23;
	s28 =	sadd.s32 $0x20, s25  }
0x11f: {  	[hbm4b:s28+s3] =	stream.linear.scatter [tilespmem:s26], [sflag:s22], $0x80, $0x38;
	[tilespmem:$0x19A00] =	vst v63  }
0x120: {  	s26 =	sadd.s32 $0x15898, s23;
	s28 =	sadd.s32 $0x30, s25  }
0x121: {  	[hbm4b:s28+s3] =	stream.linear.scatter [tilespmem:s26], [sflag:s22], $0x80, $0x38;
	[tilespmem:$0x19A00] =	vst v63  }
0x122: {  	s26 =	sadd.s32 $0x15920, s23;
	s28 =	sadd.s32 $0x40, s25  }
0x123: {  	[hbm4b:s28+s3] =	stream.linear.scatter [tilespmem:s26], [sflag:s22], $0x80, $0x38;
	[tilespmem:$0x19A00] =	vst v63  }
0x124: {  	s26 =	sadd.s32 $0x159A8, s23;
	s28 =	sadd.s32 $0x50, s25  }
0x125: {  	[hbm4b:s28+s3] =	stream.linear.scatter [tilespmem:s26], [sflag:s22], $0x80, $0x38;
	[tilespmem:$0x19A00] =	vst v63  }
0x126: {  	s26 =	sadd.s32 $0x15A30, s23;
	s28 =	sadd.s32 $0x60, s25  }
0x127: {  	[hbm4b:s28+s3] =	stream.linear.scatter [tilespmem:s26], [sflag:s22], $0x80, $0x38;
	[tilespmem:$0x19A00] =	vst v63  }
0x128: {  	s25 =	sadd.s32 $0x70, s25;
	s28 =	sadd.s32 $0x15AB8, s23  }
0x129: {  	[hbm4b:s25+s3] =	stream.linear.scatter [tilespmem:s28], [sflag:s22], $0x80, $0x38;
	[tilespmem:$0x19A00] =	vst v63  }
0x12a: {  	s18 =	sadd.s32 s18, s14;
	s28 =	sadd.s32 $0x15B40, s23  }
0x12b: {  	[hbm4b:s18+s3] =	stream.linear.scatter [tilespmem:s28], [sflag:s22], $0x80, $0x38;
	[tilespmem:$0x19A00] =	vst v63  }
0x12c: {  	s26 =	sadd.s32 $0x15BC8, s23;
	s28 =	sadd.s32 $0x10, s18  }
0x12d: {  	[hbm4b:s28+s3] =	stream.linear.scatter [tilespmem:s26], [sflag:s22], $0x80, $0x38;
	[tilespmem:$0x19A00] =	vst v63  }
0x12e: {  	s26 =	sadd.s32 $0x15C50, s23;
	s28 =	sadd.s32 $0x20, s18  }
0x12f: {  	[hbm4b:s28+s3] =	stream.linear.scatter [tilespmem:s26], [sflag:s22], $0x80, $0x38;
	[tilespmem:$0x19A00] =	vst v63  }
0x130: {  	s26 =	sadd.s32 $0x15CD8, s23;
	s28 =	sadd.s32 $0x30, s18  }
0x131: {  	[hbm4b:s28+s3] =	stream.linear.scatter [tilespmem:s26], [sflag:s22], $0x80, $0x38;
	[tilespmem:$0x19A00] =	vst v63  }
0x132: {  	s21 =	sadd.s32 $0x1, s21;
	s26 =	sadd.s32 $0x15D60, s23;
	s28 =	sadd.s32 $0x40, s18  }
0x133: {  	[hbm4b:s28+s3] =	stream.linear.scatter [tilespmem:s26], [sflag:s22], $0x80, $0x38;
	[tilespmem:$0x19A00] =	vst v63  }
0x134: {  	p0 =	sne.s32 s21, $0xC8;
	s26 =	sadd.s32 $0x15DE8, s23;
	s28 =	sadd.s32 $0x50, s18  }
0x135: {  	[hbm4b:s28+s3] =	stream.linear.scatter [tilespmem:s26], [sflag:s22], $0x80, $0x38;
	[tilespmem:$0x19A00] =	vst v63  }
.Ltmp1:
0x136: {  	_ = 	snop;
	(pc) =	sbr.rel @p0 .LBB2_2-.Ltmp1, $4  }
0x137: {  	s26 =	sadd.s32 $0x15E70, s23;
	s28 =	sadd.s32 $0x60, s18  }
0x138: {  	[hbm4b:s28+s3] =	stream.linear.scatter [tilespmem:s26], [sflag:s22], $0x80, $0x38;
	[tilespmem:$0x19A00] =	vst v63  }
0x139: {  	s24 =	sadd.s32 $0x2000, s24;
	s23 =	sadd.s32 $0x15EF8, s23;
	s18 =	sadd.s32 $0x70, s18  }
0x13a: {  	[hbm4b:s18+s3] =	stream.linear.scatter [tilespmem:s23], [sflag:s22], $0x80, $0x38;
	[tilespmem:$0x19A00] =	vst v63  }
0x13b: {  	_ =	swait.ge [sflag:s1], $0x400  }
0x13c: {  	[sflag:s1] =	ssyncset.done $0x0  }
0x13d: {  	[sflag:s1] =	ssyncadd.s32 $0xFFFFFC00  }
0x13e: {  	_ =	swait.ge [sflag:s1], $0x400  }
0x13f: {  	[sflag:s1] =	ssyncset.done $0x0  }
0x140: {  	[sflag:s1] =	ssyncadd.s32 $0xFFFFFC00  }
0x141: {  	_ =	swait.ge [sflag:s1], $0x400  }
0x142: {  	[sflag:s1] =	ssyncset.done $0x0  }
0x143: {  	[sflag:s1] =	ssyncadd.s32 $0xFFFFFC00  }
0x144: {  	_ =	swait.ge [sflag:s1], $0x400  }
0x145: {  	[sflag:s1] =	ssyncset.done $0x0  }
0x146: {  	[sflag:s1] =	ssyncadd.s32 $0xFFFFFC00  }
0x147: {  	_ =	swait.ge [sflag:s1], $0x400  }
0x148: {  	[sflag:s1] =	ssyncset.done $0x0  }
0x149: {  	[sflag:s1] =	ssyncadd.s32 $0xFFFFFC00  }
0x14a: {  	_ =	swait.ge [sflag:s1], $0x400  }
0x14b: {  	[sflag:s1] =	ssyncset.done $0x0  }
0x14c: {  	[sflag:s1] =	ssyncadd.s32 $0xFFFFFC00  }
0x14d: {  	_ =	swait.ge [sflag:s1], $0x400  }
0x14e: {  	[sflag:s1] =	ssyncset.done $0x0  }
0x14f: {  	[sflag:s1] =	ssyncadd.s32 $0xFFFFFC00  }
0x150: {  	_ =	swait.ge [sflag:s1], $0x400  }
0x151: {  	[sflag:s1] =	ssyncset.done $0x0  }
0x152: {  	[sflag:s1] =	ssyncadd.s32 $0xFFFFFC00  }
0x153: {  	_ =	swait.ge [sflag:s16], $0x400  }
0x154: {  	[sflag:s16] =	ssyncset.done $0x0  }
0x155: {  	[sflag:s16] =	ssyncadd.s32 $0xFFFFFC00  }
0x156: {  	_ =	swait.ge [sflag:s16], $0x400  }
0x157: {  	[sflag:s16] =	ssyncset.done $0x0  }
0x158: {  	[sflag:s16] =	ssyncadd.s32 $0xFFFFFC00  }
0x159: {  	_ =	swait.ge [sflag:s16], $0x400  }
0x15a: {  	[sflag:s16] =	ssyncset.done $0x0  }
0x15b: {  	[sflag:s16] =	ssyncadd.s32 $0xFFFFFC00  }
0x15c: {  	_ =	swait.ge [sflag:s16], $0x400  }
0x15d: {  	[sflag:s16] =	ssyncset.done $0x0  }
0x15e: {  	[sflag:s16] =	ssyncadd.s32 $0xFFFFFC00  }
0x15f: {  	_ =	swait.ge [sflag:s16], $0x400  }
0x160: {  	[sflag:s16] =	ssyncset.done $0x0  }
0x161: {  	[sflag:s16] =	ssyncadd.s32 $0xFFFFFC00  }
0x162: {  	_ =	swait.ge [sflag:s16], $0x400  }
0x163: {  	[sflag:s16] =	ssyncset.done $0x0  }
0x164: {  	s17 =	sadd.s32 $0x1, s17;
	[sflag:s16] =	ssyncadd.s32 $0xFFFFFC00  }
0x165: {  	p0 =	sne.s32 s17, s15;
	_ =	swait.ge [sflag:s16], $0x400  }
.Ltmp2:
0x166: {  	[sflag:s16] =	ssyncset.done $0x0;
	(pc) =	sbr.rel @p0 .LBB2_1-.Ltmp2, $4  }
0x167: {  	[sflag:s16] =	ssyncadd.s32 $0xFFFFFC00  }
0x168: {  	_ =	swait.ge [sflag:s16], $0x400  }
0x169: {  	[sflag:s16] =	ssyncset.done $0x0  }
0x16a: {  	[sflag:s16] =	ssyncadd.s32 $0xFFFFFC00  }
0x16b: {  	_ =	sfence.sel $0x180000  }
0x16c: {  	[bflag:$0x0] =	sbarrier.arrive $0xFFFF  }
0x16d: {  	_ =	strace $0x90000047  }
0x16e: {  	s0 =	stileid.u32;
	[bflag:$0x2] =	sbarrier.arrive $0xFFFF  }
0x16f: {  	p0 =	sne.s32 s0, $0x0;
	s0 =	rddreg [dreg:$0x3]  }
0x170: {  	s0 =	sadd.s32 @!p0 $0x100000, s0  }
0x171: {  	[sflag:s0] =	ssyncadd.tile.s32 @!p0 $0x1;
	_ =	shalt  }
.Lfunc_end2:
_tile_overlayer_lowered:
.L_overlay_start_2:
0x172: {  	(tag) =	ssettag $0x2  }
0x173: {  	s0 =	rddreg [dreg:$0x0];
	s2 =	stileid.u32  }
0x174: {  	s1 =	rddreg [dreg:$0x1];
	p0 =	sne.s32 s2, $0x0  }
0x175: {  	s3 =	rddreg [dreg:$0x2];
	[bflag:$0x3] =	sbarrier.arrive $0xFFFF;
	s2 =	simm.s32 @!p0 $0x1C0A  }
0x176: {  	[timem:s3], [sflag:s2] =	dma.local @!p0 [hbm:s0], s1  }
0x177: {  	s0 =	simm.s32 @!p0 $0xA  }
0x178: {  	_ =	swait.ge @!p0 [sflag:s0], s1  }
0x179: {  	s1 =	ssub.s32 @!p0 $0x0, s1;
	[sflag:s0] =	ssyncset.done @!p0 $0x0  }
0x17a: {  	[sflag:s0] =	ssyncadd.s32 @!p0 s1  }
0x17b: {  	[bflag:$0x3] =	sbarrier.arrive $0xFFFF  }
0x17c: {  	_ =	shalt  }

</sc_bundles>
